<compile_context>
chip_gen: v7x
topology: tpu7x:2x2x1
jax: 0.10.2.dev20260603
libtpu: 0.0.44.dev20260713+nightly
codegen_flags: <defaults>
</compile_context>

<pallas_src>
import jax
import jax.numpy as jnp
from jax import lax
from jax.experimental import pallas as pl
from jax.experimental.pallas import tpu as pltpu
from jax.experimental.pallas import tpu_sc as plsc

N = 10000
E = 320000
D = 128
H = 128

NW = 32
FPT = D // NW
CH = 1600
NCHUNK = E // CH
NEG = float("-inf")
LANES = 16
HASHM = 4095
UNROLL = 2


def _sc_agg_body(xsrcT_hbm, src_hbm, dst_hbm, amaxT_hbm, asumT_hbm,
                 dst_buf, src_buf, xslice, amax, asum, dtab, dsem, ssem):
    wid = lax.axis_index("s") * 2 + lax.axis_index("c")
    base = wid * (FPT * N)

    pltpu.sync_copy(xsrcT_hbm.at[pl.ds(base, FPT * N)], xslice)

    ninf = jnp.full((LANES,), NEG, jnp.float32)
    zero = jnp.zeros((LANES,), jnp.float32)

    def _init(i, _):
        s = pl.ds(i * LANES, LANES)
        amax[s] = ninf
        asum[s] = zero
        return 0
    lax.fori_loop(0, (FPT * N) // LANES, _init, 0)

    lane = lax.iota(jnp.int32, LANES)

    def _start_load(c, b):
        eb = c * CH
        pltpu.async_copy(dst_hbm.at[pl.ds(eb, CH)],
                         dst_buf.at[pl.ds(b * CH, CH)], dsem.at[b])
        pltpu.async_copy(src_hbm.at[pl.ds(eb, CH)],
                         src_buf.at[pl.ds(b * CH, CH)], ssem.at[b])

    def _wait_load(c, b):
        eb = c * CH
        pltpu.make_async_copy(dst_hbm.at[pl.ds(eb, CH)],
                              dst_buf.at[pl.ds(b * CH, CH)],
                              dsem.at[b]).wait()
        pltpu.make_async_copy(src_hbm.at[pl.ds(eb, CH)],
                              src_buf.at[pl.ds(b * CH, CH)],
                              ssem.at[b]).wait()

    _start_load(0, 0)

    def _chunk(c, _):
        b = lax.rem(c, 2)
        _wait_load(c, b)

        @pl.when(c + 1 < NCHUNK)
        def _():
            _start_load(c + 1, 1 - b)

        def _vreg(i2, _):
            vs, aidxs, hidxs = [], [], []
            for u in range(UNROLL):
                s = pl.ds(b * CH + (i2 * UNROLL + u) * LANES, LANES)
                dv = dst_buf[s]
                sv = src_buf[s]
                hidxs.append(jnp.bitwise_and(dv, HASHM))
                for f in range(FPT):
                    vs.append(plsc.load_gather(xslice, [sv + f * N]))
                    aidxs.append(dv + f * N)

            for u in range(UNROLL):
                plsc.store_scatter(dtab, [hidxs[u]], lane + u * LANES)
            dup = None
            for u in range(UNROLL):
                du = plsc.load_gather(dtab, [hidxs[u]]) != lane + u * LANES
                dup = du if dup is None else (dup | du)
            ms = [jnp.maximum(plsc.load_gather(amax, [aidxs[k]]), vs[k])
                  for k in range(UNROLL * FPT)]
            for k in range(UNROLL * FPT):
                plsc.addupdate_scatter(asum, [aidxs[k]], vs[k])
                plsc.store_scatter(amax, [aidxs[k]], ms[k])

            def _fbody(carry):
                acc = None
                for k in range(UNROLL * FPT):
                    a2 = plsc.load_gather(amax, [aidxs[k]])
                    nf = a2 < vs[k]
                    eidx = jnp.where(nf, aidxs[k], FPT * N + lane)
                    plsc.store_scatter(amax, [eidx], jnp.maximum(a2, vs[k]))
                    acc = nf if acc is None else (acc | nf)
                return (jnp.any(acc), 0)
            lax.while_loop(lambda t: t[0], _fbody, (jnp.any(dup), 0))
            return 0
        lax.fori_loop(0, CH // (LANES * UNROLL), _vreg, 0)
        return 0
    lax.fori_loop(0, NCHUNK, _chunk, 0)

    def _fin(i, _):
        s = pl.ds(i * LANES, LANES)
        v = amax[s]
        amax[s] = jnp.where(v > NEG, v, 0.0)
        return 0
    lax.fori_loop(0, (FPT * N) // LANES, _fin, 0)

    pltpu.sync_copy(amax.at[pl.ds(0, FPT * N)],
                    amaxT_hbm.at[pl.ds(base, FPT * N)])
    pltpu.sync_copy(asum, asumT_hbm.at[pl.ds(base, FPT * N)])


def _sc_aggregate(x_srcT_flat, src, dst):
    mesh = plsc.VectorSubcoreMesh(core_axis_name="c", subcore_axis_name="s")
    f = pl.kernel(
        _sc_agg_body,
        out_type=[
            jax.ShapeDtypeStruct((D * N,), jnp.float32),
            jax.ShapeDtypeStruct((D * N,), jnp.float32),
        ],
        mesh=mesh,
        compiler_params=pltpu.CompilerParams(needs_layout_passes=False),
        scratch_types=[
            pltpu.VMEM((2 * CH,), jnp.int32),
            pltpu.VMEM((2 * CH,), jnp.int32),
            pltpu.VMEM((FPT * N,), jnp.float32),
            pltpu.VMEM((FPT * N + LANES,), jnp.float32),
            pltpu.VMEM((FPT * N,), jnp.float32),
            pltpu.VMEM((HASHM + 1,), jnp.int32),
            pltpu.SemaphoreType.DMA((2,)),
            pltpu.SemaphoreType.DMA((2,)),
        ],
    )
    return f(x_srcT_flat, src, dst)


def _tc_mlp_body(amaxT_ref, asumT_ref, xdst_ref, w1_ref, b1_ref, w2_ref,
                 b2_ref, w3_ref, b3_ref, out_ref):
    w2 = w2_ref[...]
    w2m = w2[:, :D] + w2[:, D:2 * D]
    w2s = w2[:, 2 * D:]
    w3 = w3_ref[...]
    dnt = (((0,), (1,)), ((), ()))
    dn = (((1,), (1,)), ((), ()))
    h2 = (lax.dot_general(amaxT_ref[...], w2m, dnt,
                          preferred_element_type=jnp.float32)
          + lax.dot_general(asumT_ref[...], w2s, dnt,
                            preferred_element_type=jnp.float32)
          + b2_ref[...])
    h1 = (lax.dot_general(xdst_ref[...], w1_ref[...], dn,
                          preferred_element_type=jnp.float32)
          + b1_ref[...])
    h2 = jnp.maximum(h2, 0.0)
    h1 = jnp.maximum(h1, 0.0)
    o = (lax.dot_general(h2, w3[:, :H], dn,
                         preferred_element_type=jnp.float32)
         + lax.dot_general(h1, w3[:, H:], dn,
                           preferred_element_type=jnp.float32)
         + b3_ref[...])
    out_ref[...] = jnp.maximum(o, 0.0)


def _tc_mlp(amaxT, asumT, x_dst, fc1_w, fc1_b, fc2_w, fc2_b, fc3_w, fc3_b):
    return pl.pallas_call(
        _tc_mlp_body,
        out_shape=jax.ShapeDtypeStruct((N, H), jnp.float32),
    )(amaxT, asumT, x_dst, fc1_w, fc1_b.reshape(1, H), fc2_w,
      fc2_b.reshape(1, H), fc3_w, fc3_b.reshape(1, H))


@jax.jit
def kernel(x_src, x_dst, edge_index, fc1_w, fc1_b, fc2_w, fc2_b,
           fc3_w, fc3_b):
    src = edge_index[0]
    dst = edge_index[1]
    x_srcT_flat = x_src.T.reshape(-1)
    amaxT_flat, asumT_flat = _sc_aggregate(x_srcT_flat, src, dst)
    amaxT = amaxT_flat.reshape(D, N)
    asumT = asumT_flat.reshape(D, N)
    return _tc_mlp(amaxT, asumT, x_dst, fc1_w, fc1_b, fc2_w, fc2_b,
                   fc3_w, fc3_b)

# --- scband reference (transcript-rebuilt; emitter-appended) ---
"""Pipeline reference for scband-igconv-36429912605251 (READ-ONLY COPY).

The authoritative reference and input builder live on the scoring server;
editing this copy changes nothing except your own understanding.
"""

import jax, jax.numpy as jnp
import numpy as np

N = 10000
E = 320000
D = 128
H = 128


def setup_inputs(seed: int = 0) -> dict:
    key = jax.random.key(seed)
    ks = jax.random.split(key, 10)
    x_src = jax.random.normal(ks[0], (N, D), dtype=jnp.float32)
    x_dst = jax.random.normal(ks[1], (N, D), dtype=jnp.float32)
    edge_index = jax.random.randint(ks[2], (2, E), 0, N, dtype=jnp.int32)
    s1 = 1.0 / np.sqrt(D)
    s2 = 1.0 / np.sqrt(3 * D)
    s3 = 1.0 / np.sqrt(2 * H)
    fc1_w = jax.random.uniform(ks[3], (H, D), minval=-s1, maxval=s1, dtype=jnp.float32)
    fc1_b = jax.random.uniform(ks[4], (H,), minval=-s1, maxval=s1, dtype=jnp.float32)
    fc2_w = jax.random.uniform(ks[5], (H, 3 * D), minval=-s2, maxval=s2, dtype=jnp.float32)
    fc2_b = jax.random.uniform(ks[6], (H,), minval=-s2, maxval=s2, dtype=jnp.float32)
    fc3_w = jax.random.uniform(ks[7], (H, 2 * H), minval=-s3, maxval=s3, dtype=jnp.float32)
    fc3_b = jax.random.uniform(ks[8], (H,), minval=-s3, maxval=s3, dtype=jnp.float32)
    return {"x_src": x_src, "x_dst": x_dst, "edge_index": edge_index,
            "fc1_w": fc1_w, "fc1_b": fc1_b, "fc2_w": fc2_w, "fc2_b": fc2_b,
            "fc3_w": fc3_w, "fc3_b": fc3_b}


def reference(x_src, x_dst, edge_index, fc1_w, fc1_b, fc2_w, fc2_b, fc3_w, fc3_b):
    src = edge_index[0]
    dst = edge_index[1]
    # message passing: copy_u('h','m') gathers src features along edges
    m = jnp.take(x_src, src, axis=0)  # [E, D]
    # fn.max('m','max') AND fn.max('m','mean') -- the original code uses max for both
    agg_max = jax.ops.segment_max(m, dst, num_segments=N)
    agg_max = jnp.where(jnp.isfinite(agg_max), agg_max, 0.0)  # DGL zero-fills empty dst
    agg_mean = agg_max  # faithful to original: fn.max('m', 'mean')
    agg_sum = jax.ops.segment_sum(m, dst, num_segments=N)
    cat_agg = jnp.concatenate([agg_max, agg_mean, agg_sum], axis=1)  # [N, 3D]
    h2 = cat_agg @ fc2_w.T + fc2_b
    h1 = x_dst @ fc1_w.T + fc1_b
    h = jax.nn.relu(jnp.concatenate([h2, h1], axis=1))  # [N, 2H]
    out = jax.nn.relu(h @ fc3_w.T + fc3_b)
    return out

if __name__ == "__main__":
    import jax
    _d = setup_inputs()
    print(jax.jit(kernel)(*tuple(_d.values())))

</pallas_src>

<mosaic_0001>
#map = affine_map<(d0, d1) -> (0)>
module attributes {stable_mosaic.version = 14 : i64} {
  func.func @_sc_agg_body(%arg0: i32, %arg1: i32, %arg2: memref<1280000xf32, #tpu.memory_space<hbm>>, %arg3: memref<320000xi32, #tpu.memory_space<hbm>>, %arg4: memref<320000xi32, #tpu.memory_space<hbm>>, %arg5: memref<1280000xf32, #tpu.memory_space<hbm>>, %arg6: memref<1280000xf32, #tpu.memory_space<hbm>>, %arg7: memref<3200xi32, #tpu.memory_space<vmem>>, %arg8: memref<3200xi32, #tpu.memory_space<vmem>>, %arg9: memref<40000xf32, #tpu.memory_space<vmem>>, %arg10: memref<40016xf32, #tpu.memory_space<vmem>>, %arg11: memref<40000xf32, #tpu.memory_space<vmem>>, %arg12: memref<4096xi32, #tpu.memory_space<vmem>>, %arg13: memref<2x!tpu.dma_semaphore, #tpu.memory_space<semaphore_mem>>, %arg14: memref<2x!tpu.dma_semaphore, #tpu.memory_space<semaphore_mem>>) attributes {dimension_semantics = [#tpu.dimension_semantics<core_parallel>, #tpu.dimension_semantics<subcore_parallel>], iteration_bounds = array<i64: 2, 16>, scalar_prefetch = 0 : i64, scratch_operands = 8 : i64, tpu.core_type = #tpu.core_type<sc_vector_subcore>, window_params = [{transform_indices = #map}, {transform_indices = #map}, {transform_indices = #map}, {transform_indices = #map}, {transform_indices = #map}]} {
    %mul3A = arith.constant 2 : i32
    %mul3A_0 = arith.muli %arg1, %mul3A : i32
    %add3A = arith.addi %mul3A_0, %arg0 : i32
    %mul3A_1 = arith.constant 40000 : i32
    %mul3A_2 = arith.muli %add3A, %mul3A_1 : i32
    "tpu.region"() ({
      %run_scoped3A = tpu.sem_alloc : memref<!tpu.dma_semaphore, #tpu.memory_space<semaphore_mem>>
      %dma_start3A_47 = tpu.memref_slice %arg2[%mul3A_2] : memref<1280000xf32, #tpu.memory_space<hbm>> -> memref<40000xf32, #tpu.memory_space<hbm>>
      %dma_start3A_48 = tpu.memref_slice %arg2[%mul3A_2] : memref<1280000xf32, #tpu.memory_space<hbm>> -> memref<40000xf32, #tpu.memory_space<hbm>>
      tpu.enqueue_dma source(%dma_start3A_48 : memref<40000xf32, #tpu.memory_space<hbm>>) target(%arg9 : memref<40000xf32, #tpu.memory_space<vmem>>) target_semaphore(%run_scoped3A : memref<!tpu.dma_semaphore, #tpu.memory_space<semaphore_mem>>)
      %dma_wait3A = tpu.memref_slice %arg2[%mul3A_2] : memref<1280000xf32, #tpu.memory_space<hbm>> -> memref<40000xf32, #tpu.memory_space<hbm>>
      %dma_wait3A_49 = tpu.memref_slice %arg2[%mul3A_2] : memref<1280000xf32, #tpu.memory_space<hbm>> -> memref<40000xf32, #tpu.memory_space<hbm>>
      tpu.wait_dma2 semaphore(%run_scoped3A : memref<!tpu.dma_semaphore, #tpu.memory_space<semaphore_mem>>) src(%dma_wait3A_49 : memref<40000xf32, #tpu.memory_space<hbm>>) dst(%arg9 : memref<40000xf32, #tpu.memory_space<vmem>>)
      tpu.yield
    }) : () -> ()
    %broadcast_in_dim3A = arith.constant 0xFF800000 : f32
    %broadcast_in_dim3A_3 = vector.broadcast %broadcast_in_dim3A : f32 to vector<16xf32>
    %broadcast_in_dim3A_4 = arith.constant 0.000000e+00 : f32
    %broadcast_in_dim3A_5 = vector.broadcast %broadcast_in_dim3A_4 : f32 to vector<16xf32>
    %scan3A = arith.constant 0 : i32
    %scan3A_6 = arith.constant 0 : i32
    %scan3A_7 = arith.constant 2500 : i32
    %scan3A_8 = arith.addi %scan3A_6, %scan3A_7 : i32
    %scan3A_9 = arith.constant 1 : i32
    %scan3A_10 = scf.for %scan3A_47 = %scan3A_6 to %scan3A_8 step %scan3A_9 iter_args(%scan3A_48 = %scan3A) -> (i32)  : i32 {
      %mul3A_49 = arith.constant 16 : i32
      %mul3A_50 = arith.muli %scan3A_47, %mul3A_49 : i32
      %swap3A = arith.index_cast %mul3A_50 : i32 to index
      %swap3A_51 = tpu.vector_load %arg10[%swap3A] {strides = array<i32>} : memref<40016xf32, #tpu.memory_space<vmem>>, vector<16xf32>,
      tpu.vector_store %arg10[%swap3A], %broadcast_in_dim3A_3 {strides = array<i32>} : memref<40016xf32, #tpu.memory_space<vmem>>, vector<16xf32>,
      %swap3A_52 = arith.index_cast %mul3A_50 : i32 to index
      %swap3A_53 = tpu.vector_load %arg11[%swap3A_52] {strides = array<i32>} : memref<40000xf32, #tpu.memory_space<vmem>>, vector<16xf32>,
      tpu.vector_store %arg11[%swap3A_52], %broadcast_in_dim3A_5 {strides = array<i32>} : memref<40000xf32, #tpu.memory_space<vmem>>, vector<16xf32>,
      %scan3A_54 = arith.constant 0 : i32
      scf.yield %scan3A_54 : i32
    }
    %scan3A_11 = arith.constant 2500 : i32
    %iota3A = tpu.iota {dimensions = array<i32: 0>} : vector<16xi32>
    %dma_start3A = arith.constant 0 : i32
    %dma_start3A_12 = arith.constant 0 : i32
    %dma_start3A_13 = tpu.memref_slice %arg7[%dma_start3A_12] : memref<3200xi32, #tpu.memory_space<vmem>> -> memref<1600xi32, #tpu.memory_space<vmem>>
    %dma_start3A_14 = arith.constant 0 : i32
    %dma_start3A_15 = tpu.memref_slice %arg4[%dma_start3A_14] : memref<320000xi32, #tpu.memory_space<hbm>> -> memref<1600xi32, #tpu.memory_space<hbm>>
    %dma_start3A_16 = tpu.memref_slice %arg13[%dma_start3A] : memref<2x!tpu.dma_semaphore, #tpu.memory_space<semaphore_mem>> -> memref<1x!tpu.dma_semaphore, #tpu.memory_space<semaphore_mem>>
    %dma_start3A_17 = tpu.memref_squeeze %dma_start3A_16 : memref<1x!tpu.dma_semaphore, #tpu.memory_space<semaphore_mem>> -> memref<!tpu.dma_semaphore, #tpu.memory_space<semaphore_mem>>
    %dma_start3A_18 = arith.constant 0 : i32
    %dma_start3A_19 = tpu.memref_slice %arg7[%dma_start3A_18] : memref<3200xi32, #tpu.memory_space<vmem>> -> memref<1600xi32, #tpu.memory_space<vmem>>
    %dma_start3A_20 = arith.constant 0 : i32
    %dma_start3A_21 = tpu.memref_slice %arg4[%dma_start3A_20] : memref<320000xi32, #tpu.memory_space<hbm>> -> memref<1600xi32, #tpu.memory_space<hbm>>
    tpu.enqueue_dma source(%dma_start3A_21 : memref<1600xi32, #tpu.memory_space<hbm>>) target(%dma_start3A_19 : memref<1600xi32, #tpu.memory_space<vmem>>) target_semaphore(%dma_start3A_17 : memref<!tpu.dma_semaphore, #tpu.memory_space<semaphore_mem>>)
    %dma_start3A_22 = arith.constant 0 : i32
    %dma_start3A_23 = arith.constant 0 : i32
    %dma_start3A_24 = tpu.memref_slice %arg8[%dma_start3A_23] : memref<3200xi32, #tpu.memory_space<vmem>> -> memref<1600xi32, #tpu.memory_space<vmem>>
    %dma_start3A_25 = arith.constant 0 : i32
    %dma_start3A_26 = tpu.memref_slice %arg3[%dma_start3A_25] : memref<320000xi32, #tpu.memory_space<hbm>> -> memref<1600xi32, #tpu.memory_space<hbm>>
    %dma_start3A_27 = tpu.memref_slice %arg14[%dma_start3A_22] : memref<2x!tpu.dma_semaphore, #tpu.memory_space<semaphore_mem>> -> memref<1x!tpu.dma_semaphore, #tpu.memory_space<semaphore_mem>>
    %dma_start3A_28 = tpu.memref_squeeze %dma_start3A_27 : memref<1x!tpu.dma_semaphore, #tpu.memory_space<semaphore_mem>> -> memref<!tpu.dma_semaphore, #tpu.memory_space<semaphore_mem>>
    %dma_start3A_29 = arith.constant 0 : i32
    %dma_start3A_30 = tpu.memref_slice %arg8[%dma_start3A_29] : memref<3200xi32, #tpu.memory_space<vmem>> -> memref<1600xi32, #tpu.memory_space<vmem>>
    %dma_start3A_31 = arith.constant 0 : i32
    %dma_start3A_32 = tpu.memref_slice %arg3[%dma_start3A_31] : memref<320000xi32, #tpu.memory_space<hbm>> -> memref<1600xi32, #tpu.memory_space<hbm>>
    tpu.enqueue_dma source(%dma_start3A_32 : memref<1600xi32, #tpu.memory_space<hbm>>) target(%dma_start3A_30 : memref<1600xi32, #tpu.memory_space<vmem>>) target_semaphore(%dma_start3A_28 : memref<!tpu.dma_semaphore, #tpu.memory_space<semaphore_mem>>)
    %scan3A_33 = arith.constant 0 : i32
    %scan3A_34 = arith.constant 0 : i32
    %scan3A_35 = arith.constant 200 : i32
    %scan3A_36 = arith.addi %scan3A_34, %scan3A_35 : i32
    %scan3A_37 = arith.constant 1 : i32
    %scan3A_38 = scf.for %scan3A_47 = %scan3A_34 to %scan3A_36 step %scan3A_37 iter_args(%scan3A_48 = %scan3A_33) -> (i32)  : i32 {
      %rem3A = arith.constant 2 : i32
      %rem3A_49 = arith.remsi %scan3A_47, %rem3A : i32
      %mul3A_50 = arith.constant 1600 : i32
      %mul3A_51 = arith.muli %scan3A_47, %mul3A_50 : i32
      %mul3A_52 = arith.constant 1600 : i32
      %mul3A_53 = arith.muli %rem3A_49, %mul3A_52 : i32
      %dma_wait3A = tpu.memref_slice %arg7[%mul3A_53] : memref<3200xi32, #tpu.memory_space<vmem>> -> memref<1600xi32, #tpu.memory_space<vmem>>
      %dma_wait3A_54 = tpu.memref_slice %arg4[%mul3A_51] : memref<320000xi32, #tpu.memory_space<hbm>> -> memref<1600xi32, #tpu.memory_space<hbm>>
      %dma_wait3A_55 = tpu.memref_slice %arg13[%rem3A_49] : memref<2x!tpu.dma_semaphore, #tpu.memory_space<semaphore_mem>> -> memref<1x!tpu.dma_semaphore, #tpu.memory_space<semaphore_mem>>
      %dma_wait3A_56 = tpu.memref_squeeze %dma_wait3A_55 : memref<1x!tpu.dma_semaphore, #tpu.memory_space<semaphore_mem>> -> memref<!tpu.dma_semaphore, #tpu.memory_space<semaphore_mem>>
      %dma_wait3A_57 = tpu.memref_slice %arg7[%mul3A_53] : memref<3200xi32, #tpu.memory_space<vmem>> -> memref<1600xi32, #tpu.memory_space<vmem>>
      %dma_wait3A_58 = tpu.memref_slice %arg4[%mul3A_51] : memref<320000xi32, #tpu.memory_space<hbm>> -> memref<1600xi32, #tpu.memory_space<hbm>>
      tpu.wait_dma2 semaphore(%dma_wait3A_56 : memref<!tpu.dma_semaphore, #tpu.memory_space<semaphore_mem>>) src(%dma_wait3A_58 : memref<1600xi32, #tpu.memory_space<hbm>>) dst(%dma_wait3A_57 : memref<1600xi32, #tpu.memory_space<vmem>>)
      %mul3A_59 = arith.constant 1600 : i32
      %mul3A_60 = arith.muli %rem3A_49, %mul3A_59 : i32
      %dma_wait3A_61 = tpu.memref_slice %arg8[%mul3A_60] : memref<3200xi32, #tpu.memory_space<vmem>> -> memref<1600xi32, #tpu.memory_space<vmem>>
      %dma_wait3A_62 = tpu.memref_slice %arg3[%mul3A_51] : memref<320000xi32, #tpu.memory_space<hbm>> -> memref<1600xi32, #tpu.memory_space<hbm>>
      %dma_wait3A_63 = tpu.memref_slice %arg14[%rem3A_49] : memref<2x!tpu.dma_semaphore, #tpu.memory_space<semaphore_mem>> -> memref<1x!tpu.dma_semaphore, #tpu.memory_space<semaphore_mem>>
      %dma_wait3A_64 = tpu.memref_squeeze %dma_wait3A_63 : memref<1x!tpu.dma_semaphore, #tpu.memory_space<semaphore_mem>> -> memref<!tpu.dma_semaphore, #tpu.memory_space<semaphore_mem>>
      %dma_wait3A_65 = tpu.memref_slice %arg8[%mul3A_60] : memref<3200xi32, #tpu.memory_space<vmem>> -> memref<1600xi32, #tpu.memory_space<vmem>>
      %dma_wait3A_66 = tpu.memref_slice %arg3[%mul3A_51] : memref<320000xi32, #tpu.memory_space<hbm>> -> memref<1600xi32, #tpu.memory_space<hbm>>
      tpu.wait_dma2 semaphore(%dma_wait3A_64 : memref<!tpu.dma_semaphore, #tpu.memory_space<semaphore_mem>>) src(%dma_wait3A_66 : memref<1600xi32, #tpu.memory_space<hbm>>) dst(%dma_wait3A_65 : memref<1600xi32, #tpu.memory_space<vmem>>)
      %add3A_67 = arith.constant 1 : i32
      %add3A_68 = arith.addi %scan3A_47, %add3A_67 : i32
      %lt3A = arith.constant 200 : i32
      %lt3A_69 = arith.cmpi slt, %add3A_68, %lt3A : i32
      %convert_element_type3A = arith.extui %lt3A_69 : i1 to i32
      %cond3A = arith.constant 0 : i32
      %cond3A_70 = arith.cmpi ne, %convert_element_type3A, %cond3A : i32
      scf.if %cond3A_70 {
        %add3A_79 = arith.constant 1 : i32
        %add3A_80 = arith.addi %scan3A_47, %add3A_79 : i32
        %sub3A = arith.constant 1 : i32
        %sub3A_81 = arith.subi %sub3A, %rem3A_49 : i32
        %mul3A_82 = arith.constant 1600 : i32
        %mul3A_83 = arith.muli %add3A_80, %mul3A_82 : i32
        %mul3A_84 = arith.constant 1600 : i32
        %mul3A_85 = arith.muli %sub3A_81, %mul3A_84 : i32
        %dma_start3A_86 = tpu.memref_slice %arg7[%mul3A_85] : memref<3200xi32, #tpu.memory_space<vmem>> -> memref<1600xi32, #tpu.memory_space<vmem>>
        %dma_start3A_87 = tpu.memref_slice %arg4[%mul3A_83] : memref<320000xi32, #tpu.memory_space<hbm>> -> memref<1600xi32, #tpu.memory_space<hbm>>
        %dma_start3A_88 = tpu.memref_slice %arg13[%sub3A_81] : memref<2x!tpu.dma_semaphore, #tpu.memory_space<semaphore_mem>> -> memref<1x!tpu.dma_semaphore, #tpu.memory_space<semaphore_mem>>
        %dma_start3A_89 = tpu.memref_squeeze %dma_start3A_88 : memref<1x!tpu.dma_semaphore, #tpu.memory_space<semaphore_mem>> -> memref<!tpu.dma_semaphore, #tpu.memory_space<semaphore_mem>>
        %dma_start3A_90 = tpu.memref_slice %arg7[%mul3A_85] : memref<3200xi32, #tpu.memory_space<vmem>> -> memref<1600xi32, #tpu.memory_space<vmem>>
        %dma_start3A_91 = tpu.memref_slice %arg4[%mul3A_83] : memref<320000xi32, #tpu.memory_space<hbm>> -> memref<1600xi32, #tpu.memory_space<hbm>>
        tpu.enqueue_dma source(%dma_start3A_91 : memref<1600xi32, #tpu.memory_space<hbm>>) target(%dma_start3A_90 : memref<1600xi32, #tpu.memory_space<vmem>>) target_semaphore(%dma_start3A_89 : memref<!tpu.dma_semaphore, #tpu.memory_space<semaphore_mem>>)
        %mul3A_92 = arith.constant 1600 : i32
        %mul3A_93 = arith.muli %sub3A_81, %mul3A_92 : i32
        %dma_start3A_94 = tpu.memref_slice %arg8[%mul3A_93] : memref<3200xi32, #tpu.memory_space<vmem>> -> memref<1600xi32, #tpu.memory_space<vmem>>
        %dma_start3A_95 = tpu.memref_slice %arg3[%mul3A_83] : memref<320000xi32, #tpu.memory_space<hbm>> -> memref<1600xi32, #tpu.memory_space<hbm>>
        %dma_start3A_96 = tpu.memref_slice %arg14[%sub3A_81] : memref<2x!tpu.dma_semaphore, #tpu.memory_space<semaphore_mem>> -> memref<1x!tpu.dma_semaphore, #tpu.memory_space<semaphore_mem>>
        %dma_start3A_97 = tpu.memref_squeeze %dma_start3A_96 : memref<1x!tpu.dma_semaphore, #tpu.memory_space<semaphore_mem>> -> memref<!tpu.dma_semaphore, #tpu.memory_space<semaphore_mem>>
        %dma_start3A_98 = tpu.memref_slice %arg8[%mul3A_93] : memref<3200xi32, #tpu.memory_space<vmem>> -> memref<1600xi32, #tpu.memory_space<vmem>>
        %dma_start3A_99 = tpu.memref_slice %arg3[%mul3A_83] : memref<320000xi32, #tpu.memory_space<hbm>> -> memref<1600xi32, #tpu.memory_space<hbm>>
        tpu.enqueue_dma source(%dma_start3A_99 : memref<1600xi32, #tpu.memory_space<hbm>>) target(%dma_start3A_98 : memref<1600xi32, #tpu.memory_space<vmem>>) target_semaphore(%dma_start3A_97 : memref<!tpu.dma_semaphore, #tpu.memory_space<semaphore_mem>>)
      } else {
      }
      %scan3A_71 = arith.constant 0 : i32
      %scan3A_72 = arith.constant 0 : i32
      %scan3A_73 = arith.constant 50 : i32
      %scan3A_74 = arith.addi %scan3A_72, %scan3A_73 : i32
      %scan3A_75 = arith.constant 1 : i32
      %scan3A_76 = scf.for %scan3A_79 = %scan3A_72 to %scan3A_74 step %scan3A_75 iter_args(%scan3A_80 = %scan3A_71) -> (i32)  : i32 {
        %mul3A_81 = arith.constant 1600 : i32
        %mul3A_82 = arith.muli %rem3A_49, %mul3A_81 : i32
        %mul3A_83 = arith.constant 2 : i32
        %mul3A_84 = arith.muli %scan3A_79, %mul3A_83 : i32
        %add3A_85 = arith.constant 0 : i32
        %add3A_86 = arith.addi %mul3A_84, %add3A_85 : i32
        %mul3A_87 = arith.constant 16 : i32
        %mul3A_88 = arith.muli %add3A_86, %mul3A_87 : i32
        %add3A_89 = arith.addi %mul3A_82, %mul3A_88 : i32
        %get3A = arith.index_cast %add3A_89 : i32 to index
        %get3A_90 = tpu.vector_load %arg7[%get3A] {strides = array<i32>} : memref<3200xi32, #tpu.memory_space<vmem>>, vector<16xi32>,
        %get3A_91 = arith.index_cast %add3A_89 : i32 to index
        %get3A_92 = tpu.vector_load %arg8[%get3A_91] {strides = array<i32>} : memref<3200xi32, #tpu.memory_space<vmem>>, vector<16xi32>,
        %and3A = arith.constant 4095 : i32
        %and3A_93 = vector.broadcast %and3A : i32 to vector<16xi32>
        %and3A_94 = arith.andi %get3A_90, %and3A_93 : vector<16xi32>
        %add3A_95 = arith.constant 0 : i32
        %add3A_96 = vector.broadcast %add3A_95 : i32 to vector<16xi32>
        %add3A_97 = arith.addi %get3A_92, %add3A_96 : vector<16xi32>
        %gather3A = tpu.vector_load_idx %arg9[%add3A_97] : memref<40000xf32, #tpu.memory_space<vmem>>[vector<16xi32>], vector<16xf32>,
        %add3A_98 = arith.constant 0 : i32
        %add3A_99 = vector.broadcast %add3A_98 : i32 to vector<16xi32>
        %add3A_100 = arith.addi %get3A_90, %add3A_99 : vector<16xi32>
        %add3A_101 = arith.constant 10000 : i32
        %add3A_102 = vector.broadcast %add3A_101 : i32 to vector<16xi32>
        %add3A_103 = arith.addi %get3A_92, %add3A_102 : vector<16xi32>
        %gather3A_104 = tpu.vector_load_idx %arg9[%add3A_103] : memref<40000xf32, #tpu.memory_space<vmem>>[vector<16xi32>], vector<16xf32>,
        %add3A_105 = arith.constant 10000 : i32
        %add3A_106 = vector.broadcast %add3A_105 : i32 to vector<16xi32>
        %add3A_107 = arith.addi %get3A_90, %add3A_106 : vector<16xi32>
        %add3A_108 = arith.constant 20000 : i32
        %add3A_109 = vector.broadcast %add3A_108 : i32 to vector<16xi32>
        %add3A_110 = arith.addi %get3A_92, %add3A_109 : vector<16xi32>
        %gather3A_111 = tpu.vector_load_idx %arg9[%add3A_110] : memref<40000xf32, #tpu.memory_space<vmem>>[vector<16xi32>], vector<16xf32>,
        %add3A_112 = arith.constant 20000 : i32
        %add3A_113 = vector.broadcast %add3A_112 : i32 to vector<16xi32>
        %add3A_114 = arith.addi %get3A_90, %add3A_113 : vector<16xi32>
        %add3A_115 = arith.constant 30000 : i32
        %add3A_116 = vector.broadcast %add3A_115 : i32 to vector<16xi32>
        %add3A_117 = arith.addi %get3A_92, %add3A_116 : vector<16xi32>
        %gather3A_118 = tpu.vector_load_idx %arg9[%add3A_117] : memref<40000xf32, #tpu.memory_space<vmem>>[vector<16xi32>], vector<16xf32>,
        %add3A_119 = arith.constant 30000 : i32
        %add3A_120 = vector.broadcast %add3A_119 : i32 to vector<16xi32>
        %add3A_121 = arith.addi %get3A_90, %add3A_120 : vector<16xi32>
        %mul3A_122 = arith.constant 1600 : i32
        %mul3A_123 = arith.muli %rem3A_49, %mul3A_122 : i32
        %mul3A_124 = arith.constant 2 : i32
        %mul3A_125 = arith.muli %scan3A_79, %mul3A_124 : i32
        %add3A_126 = arith.constant 1 : i32
        %add3A_127 = arith.addi %mul3A_125, %add3A_126 : i32
        %mul3A_128 = arith.constant 16 : i32
        %mul3A_129 = arith.muli %add3A_127, %mul3A_128 : i32
        %add3A_130 = arith.addi %mul3A_123, %mul3A_129 : i32
        %get3A_131 = arith.index_cast %add3A_130 : i32 to index
        %get3A_132 = tpu.vector_load %arg7[%get3A_131] {strides = array<i32>} : memref<3200xi32, #tpu.memory_space<vmem>>, vector<16xi32>,
        %get3A_133 = arith.index_cast %add3A_130 : i32 to index
        %get3A_134 = tpu.vector_load %arg8[%get3A_133] {strides = array<i32>} : memref<3200xi32, #tpu.memory_space<vmem>>, vector<16xi32>,
        %and3A_135 = arith.constant 4095 : i32
        %and3A_136 = vector.broadcast %and3A_135 : i32 to vector<16xi32>
        %and3A_137 = arith.andi %get3A_132, %and3A_136 : vector<16xi32>
        %add3A_138 = arith.constant 0 : i32
        %add3A_139 = vector.broadcast %add3A_138 : i32 to vector<16xi32>
        %add3A_140 = arith.addi %get3A_134, %add3A_139 : vector<16xi32>
        %gather3A_141 = tpu.vector_load_idx %arg9[%add3A_140] : memref<40000xf32, #tpu.memory_space<vmem>>[vector<16xi32>], vector<16xf32>,
        %add3A_142 = arith.constant 0 : i32
        %add3A_143 = vector.broadcast %add3A_142 : i32 to vector<16xi32>
        %add3A_144 = arith.addi %get3A_132, %add3A_143 : vector<16xi32>
        %add3A_145 = arith.constant 10000 : i32
        %add3A_146 = vector.broadcast %add3A_145 : i32 to vector<16xi32>
        %add3A_147 = arith.addi %get3A_134, %add3A_146 : vector<16xi32>
        %gather3A_148 = tpu.vector_load_idx %arg9[%add3A_147] : memref<40000xf32, #tpu.memory_space<vmem>>[vector<16xi32>], vector<16xf32>,
        %add3A_149 = arith.constant 10000 : i32
        %add3A_150 = vector.broadcast %add3A_149 : i32 to vector<16xi32>
        %add3A_151 = arith.addi %get3A_132, %add3A_150 : vector<16xi32>
        %add3A_152 = arith.constant 20000 : i32
        %add3A_153 = vector.broadcast %add3A_152 : i32 to vector<16xi32>
        %add3A_154 = arith.addi %get3A_134, %add3A_153 : vector<16xi32>
        %gather3A_155 = tpu.vector_load_idx %arg9[%add3A_154] : memref<40000xf32, #tpu.memory_space<vmem>>[vector<16xi32>], vector<16xf32>,
        %add3A_156 = arith.constant 20000 : i32
        %add3A_157 = vector.broadcast %add3A_156 : i32 to vector<16xi32>
        %add3A_158 = arith.addi %get3A_132, %add3A_157 : vector<16xi32>
        %add3A_159 = arith.constant 30000 : i32
        %add3A_160 = vector.broadcast %add3A_159 : i32 to vector<16xi32>
        %add3A_161 = arith.addi %get3A_134, %add3A_160 : vector<16xi32>
        %gather3A_162 = tpu.vector_load_idx %arg9[%add3A_161] : memref<40000xf32, #tpu.memory_space<vmem>>[vector<16xi32>], vector<16xf32>,
        %add3A_163 = arith.constant 30000 : i32
        %add3A_164 = vector.broadcast %add3A_163 : i32 to vector<16xi32>
        %add3A_165 = arith.addi %get3A_132, %add3A_164 : vector<16xi32>
        %add3A_166 = arith.constant 0 : i32
        %add3A_167 = vector.broadcast %add3A_166 : i32 to vector<16xi32>
        %add3A_168 = arith.addi %iota3A, %add3A_167 : vector<16xi32>
        tpu.vector_store_idx %arg12[%and3A_94], %add3A_168 : memref<4096xi32, #tpu.memory_space<vmem>>[vector<16xi32>], vector<16xi32>,
        %add3A_169 = arith.constant 16 : i32
        %add3A_170 = vector.broadcast %add3A_169 : i32 to vector<16xi32>
        %add3A_171 = arith.addi %iota3A, %add3A_170 : vector<16xi32>
        tpu.vector_store_idx %arg12[%and3A_137], %add3A_171 : memref<4096xi32, #tpu.memory_space<vmem>>[vector<16xi32>], vector<16xi32>,
        %gather3A_172 = tpu.vector_load_idx %arg12[%and3A_94] : memref<4096xi32, #tpu.memory_space<vmem>>[vector<16xi32>], vector<16xi32>,
        %add3A_173 = arith.constant 0 : i32
        %add3A_174 = vector.broadcast %add3A_173 : i32 to vector<16xi32>
        %add3A_175 = arith.addi %iota3A, %add3A_174 : vector<16xi32>
        %ne3A = arith.cmpi ne, %gather3A_172, %add3A_175 : vector<16xi32>
        %gather3A_176 = tpu.vector_load_idx %arg12[%and3A_137] : memref<4096xi32, #tpu.memory_space<vmem>>[vector<16xi32>], vector<16xi32>,
        %add3A_177 = arith.constant 16 : i32
        %add3A_178 = vector.broadcast %add3A_177 : i32 to vector<16xi32>
        %add3A_179 = arith.addi %iota3A, %add3A_178 : vector<16xi32>
        %ne3A_180 = arith.cmpi ne, %gather3A_176, %add3A_179 : vector<16xi32>
        %or3A = arith.ori %ne3A, %ne3A_180 : vector<16xi1>
        %gather3A_181 = tpu.vector_load_idx %arg10[%add3A_100] : memref<40016xf32, #tpu.memory_space<vmem>>[vector<16xi32>], vector<16xf32>,
        %max3A = arith.maximumf %gather3A_181, %gather3A : vector<16xf32>
        %gather3A_182 = tpu.vector_load_idx %arg10[%add3A_107] : memref<40016xf32, #tpu.memory_space<vmem>>[vector<16xi32>], vector<16xf32>,
        %max3A_183 = arith.maximumf %gather3A_182, %gather3A_104 : vector<16xf32>
        %gather3A_184 = tpu.vector_load_idx %arg10[%add3A_114] : memref<40016xf32, #tpu.memory_space<vmem>>[vector<16xi32>], vector<16xf32>,
        %max3A_185 = arith.maximumf %gather3A_184, %gather3A_111 : vector<16xf32>
        %gather3A_186 = tpu.vector_load_idx %arg10[%add3A_121] : memref<40016xf32, #tpu.memory_space<vmem>>[vector<16xi32>], vector<16xf32>,
        %max3A_187 = arith.maximumf %gather3A_186, %gather3A_118 : vector<16xf32>
        %gather3A_188 = tpu.vector_load_idx %arg10[%add3A_144] : memref<40016xf32, #tpu.memory_space<vmem>>[vector<16xi32>], vector<16xf32>,
        %max3A_189 = arith.maximumf %gather3A_188, %gather3A_141 : vector<16xf32>
        %gather3A_190 = tpu.vector_load_idx %arg10[%add3A_151] : memref<40016xf32, #tpu.memory_space<vmem>>[vector<16xi32>], vector<16xf32>,
        %max3A_191 = arith.maximumf %gather3A_190, %gather3A_148 : vector<16xf32>
        %gather3A_192 = tpu.vector_load_idx %arg10[%add3A_158] : memref<40016xf32, #tpu.memory_space<vmem>>[vector<16xi32>], vector<16xf32>,
        %max3A_193 = arith.maximumf %gather3A_192, %gather3A_155 : vector<16xf32>
        %gather3A_194 = tpu.vector_load_idx %arg10[%add3A_165] : memref<40016xf32, #tpu.memory_space<vmem>>[vector<16xi32>], vector<16xf32>,
        %max3A_195 = arith.maximumf %gather3A_194, %gather3A_162 : vector<16xf32>
        tpu.vector_store_idx %arg11[%add3A_100], %gather3A {add = true} : memref<40000xf32, #tpu.memory_space<vmem>>[vector<16xi32>], vector<16xf32>,
        tpu.vector_store_idx %arg10[%add3A_100], %max3A : memref<40016xf32, #tpu.memory_space<vmem>>[vector<16xi32>], vector<16xf32>,
        tpu.vector_store_idx %arg11[%add3A_107], %gather3A_104 {add = true} : memref<40000xf32, #tpu.memory_space<vmem>>[vector<16xi32>], vector<16xf32>,
        tpu.vector_store_idx %arg10[%add3A_107], %max3A_183 : memref<40016xf32, #tpu.memory_space<vmem>>[vector<16xi32>], vector<16xf32>,
        tpu.vector_store_idx %arg11[%add3A_114], %gather3A_111 {add = true} : memref<40000xf32, #tpu.memory_space<vmem>>[vector<16xi32>], vector<16xf32>,
        tpu.vector_store_idx %arg10[%add3A_114], %max3A_185 : memref<40016xf32, #tpu.memory_space<vmem>>[vector<16xi32>], vector<16xf32>,
        tpu.vector_store_idx %arg11[%add3A_121], %gather3A_118 {add = true} : memref<40000xf32, #tpu.memory_space<vmem>>[vector<16xi32>], vector<16xf32>,
        tpu.vector_store_idx %arg10[%add3A_121], %max3A_187 : memref<40016xf32, #tpu.memory_space<vmem>>[vector<16xi32>], vector<16xf32>,
        tpu.vector_store_idx %arg11[%add3A_144], %gather3A_141 {add = true} : memref<40000xf32, #tpu.memory_space<vmem>>[vector<16xi32>], vector<16xf32>,
        tpu.vector_store_idx %arg10[%add3A_144], %max3A_189 : memref<40016xf32, #tpu.memory_space<vmem>>[vector<16xi32>], vector<16xf32>,
        tpu.vector_store_idx %arg11[%add3A_151], %gather3A_148 {add = true} : memref<40000xf32, #tpu.memory_space<vmem>>[vector<16xi32>], vector<16xf32>,
        tpu.vector_store_idx %arg10[%add3A_151], %max3A_191 : memref<40016xf32, #tpu.memory_space<vmem>>[vector<16xi32>], vector<16xf32>,
        tpu.vector_store_idx %arg11[%add3A_158], %gather3A_155 {add = true} : memref<40000xf32, #tpu.memory_space<vmem>>[vector<16xi32>], vector<16xf32>,
        tpu.vector_store_idx %arg10[%add3A_158], %max3A_193 : memref<40016xf32, #tpu.memory_space<vmem>>[vector<16xi32>], vector<16xf32>,
        tpu.vector_store_idx %arg11[%add3A_165], %gather3A_162 {add = true} : memref<40000xf32, #tpu.memory_space<vmem>>[vector<16xi32>], vector<16xf32>,
        tpu.vector_store_idx %arg10[%add3A_165], %max3A_195 : memref<40016xf32, #tpu.memory_space<vmem>>[vector<16xi32>], vector<16xf32>,
        %reduce_or3A = arith.constant 1.000000e+00 : f32
        %reduce_or3A_196 = arith.constant 0.000000e+00 : f32
        %reduce_or3A_197 = vector.broadcast %reduce_or3A : f32 to vector<16xf32>
        %reduce_or3A_198 = vector.broadcast %reduce_or3A_196 : f32 to vector<16xf32>
        %reduce_or3A_199 = arith.select %or3A, %reduce_or3A_197, %reduce_or3A_198 : vector<16xi1>, vector<16xf32>
        %reduce_or3A_200 = arith.constant true
        %reduce_or3A_201 = vector.broadcast %reduce_or3A_200 : i1 to vector<16xi1>
        %reduce_or3A_202 = tpu.scan <max>, %reduce_or3A_199 masked %reduce_or3A_201 : vector<16xf32>, vector<16xi1> -> vector<16xf32>
        %reduce_or3A_203 = vector.extract %reduce_or3A_202[15] : f32 from vector<16xf32>
        %reduce_or3A_204 = arith.constant 0.000000e+00 : f32
        %reduce_or3A_205 = arith.cmpf ogt, %reduce_or3A_203, %reduce_or3A_204 : f32
        %while3A = arith.constant 0 : i32
        %while3A_206:2 = scf.while (%while3A_208 = %reduce_or3A_205, %while3A_209 = %while3A) : (i1, i32) -> (i1, i32) {
          scf.condition(%while3A_208) %while3A_208, %while3A_209 : i1, i32
        } do {
        ^bb0(%while3A_208: i1, %while3A_209: i32):
          %gather3A_210 = tpu.vector_load_idx %arg10[%add3A_100] : memref<40016xf32, #tpu.memory_space<vmem>>[vector<16xi32>], vector<16xf32>,
          %lt3A_211 = arith.cmpf olt, %gather3A_210, %gather3A : vector<16xf32>
          %add3A_212 = arith.constant 40000 : i32
          %add3A_213 = vector.broadcast %add3A_212 : i32 to vector<16xi32>
          %add3A_214 = arith.addi %add3A_213, %iota3A : vector<16xi32>
          %select_n3A = arith.select %lt3A_211, %add3A_100, %add3A_214 : vector<16xi1>, vector<16xi32>
          %max3A_215 = arith.maximumf %gather3A_210, %gather3A : vector<16xf32>
          tpu.vector_store_idx %arg10[%select_n3A], %max3A_215 : memref<40016xf32, #tpu.memory_space<vmem>>[vector<16xi32>], vector<16xf32>,
          %gather3A_216 = tpu.vector_load_idx %arg10[%add3A_107] : memref<40016xf32, #tpu.memory_space<vmem>>[vector<16xi32>], vector<16xf32>,
          %lt3A_217 = arith.cmpf olt, %gather3A_216, %gather3A_104 : vector<16xf32>
          %add3A_218 = arith.constant 40000 : i32
          %add3A_219 = vector.broadcast %add3A_218 : i32 to vector<16xi32>
          %add3A_220 = arith.addi %add3A_219, %iota3A : vector<16xi32>
          %select_n3A_221 = arith.select %lt3A_217, %add3A_107, %add3A_220 : vector<16xi1>, vector<16xi32>
          %max3A_222 = arith.maximumf %gather3A_216, %gather3A_104 : vector<16xf32>
          tpu.vector_store_idx %arg10[%select_n3A_221], %max3A_222 : memref<40016xf32, #tpu.memory_space<vmem>>[vector<16xi32>], vector<16xf32>,
          %or3A_223 = arith.ori %lt3A_211, %lt3A_217 : vector<16xi1>
          %gather3A_224 = tpu.vector_load_idx %arg10[%add3A_114] : memref<40016xf32, #tpu.memory_space<vmem>>[vector<16xi32>], vector<16xf32>,
          %lt3A_225 = arith.cmpf olt, %gather3A_224, %gather3A_111 : vector<16xf32>
          %add3A_226 = arith.constant 40000 : i32
          %add3A_227 = vector.broadcast %add3A_226 : i32 to vector<16xi32>
          %add3A_228 = arith.addi %add3A_227, %iota3A : vector<16xi32>
          %select_n3A_229 = arith.select %lt3A_225, %add3A_114, %add3A_228 : vector<16xi1>, vector<16xi32>
          %max3A_230 = arith.maximumf %gather3A_224, %gather3A_111 : vector<16xf32>
          tpu.vector_store_idx %arg10[%select_n3A_229], %max3A_230 : memref<40016xf32, #tpu.memory_space<vmem>>[vector<16xi32>], vector<16xf32>,
          %or3A_231 = arith.ori %or3A_223, %lt3A_225 : vector<16xi1>
          %gather3A_232 = tpu.vector_load_idx %arg10[%add3A_121] : memref<40016xf32, #tpu.memory_space<vmem>>[vector<16xi32>], vector<16xf32>,
          %lt3A_233 = arith.cmpf olt, %gather3A_232, %gather3A_118 : vector<16xf32>
          %add3A_234 = arith.constant 40000 : i32
          %add3A_235 = vector.broadcast %add3A_234 : i32 to vector<16xi32>
          %add3A_236 = arith.addi %add3A_235, %iota3A : vector<16xi32>
          %select_n3A_237 = arith.select %lt3A_233, %add3A_121, %add3A_236 : vector<16xi1>, vector<16xi32>
          %max3A_238 = arith.maximumf %gather3A_232, %gather3A_118 : vector<16xf32>
          tpu.vector_store_idx %arg10[%select_n3A_237], %max3A_238 : memref<40016xf32, #tpu.memory_space<vmem>>[vector<16xi32>], vector<16xf32>,
          %or3A_239 = arith.ori %or3A_231, %lt3A_233 : vector<16xi1>
          %gather3A_240 = tpu.vector_load_idx %arg10[%add3A_144] : memref<40016xf32, #tpu.memory_space<vmem>>[vector<16xi32>], vector<16xf32>,
          %lt3A_241 = arith.cmpf olt, %gather3A_240, %gather3A_141 : vector<16xf32>
          %add3A_242 = arith.constant 40000 : i32
          %add3A_243 = vector.broadcast %add3A_242 : i32 to vector<16xi32>
          %add3A_244 = arith.addi %add3A_243, %iota3A : vector<16xi32>
          %select_n3A_245 = arith.select %lt3A_241, %add3A_144, %add3A_244 : vector<16xi1>, vector<16xi32>
          %max3A_246 = arith.maximumf %gather3A_240, %gather3A_141 : vector<16xf32>
          tpu.vector_store_idx %arg10[%select_n3A_245], %max3A_246 : memref<40016xf32, #tpu.memory_space<vmem>>[vector<16xi32>], vector<16xf32>,
          %or3A_247 = arith.ori %or3A_239, %lt3A_241 : vector<16xi1>
          %gather3A_248 = tpu.vector_load_idx %arg10[%add3A_151] : memref<40016xf32, #tpu.memory_space<vmem>>[vector<16xi32>], vector<16xf32>,
          %lt3A_249 = arith.cmpf olt, %gather3A_248, %gather3A_148 : vector<16xf32>
          %add3A_250 = arith.constant 40000 : i32
          %add3A_251 = vector.broadcast %add3A_250 : i32 to vector<16xi32>
          %add3A_252 = arith.addi %add3A_251, %iota3A : vector<16xi32>
          %select_n3A_253 = arith.select %lt3A_249, %add3A_151, %add3A_252 : vector<16xi1>, vector<16xi32>
          %max3A_254 = arith.maximumf %gather3A_248, %gather3A_148 : vector<16xf32>
          tpu.vector_store_idx %arg10[%select_n3A_253], %max3A_254 : memref<40016xf32, #tpu.memory_space<vmem>>[vector<16xi32>], vector<16xf32>,
          %or3A_255 = arith.ori %or3A_247, %lt3A_249 : vector<16xi1>
          %gather3A_256 = tpu.vector_load_idx %arg10[%add3A_158] : memref<40016xf32, #tpu.memory_space<vmem>>[vector<16xi32>], vector<16xf32>,
          %lt3A_257 = arith.cmpf olt, %gather3A_256, %gather3A_155 : vector<16xf32>
          %add3A_258 = arith.constant 40000 : i32
          %add3A_259 = vector.broadcast %add3A_258 : i32 to vector<16xi32>
          %add3A_260 = arith.addi %add3A_259, %iota3A : vector<16xi32>
          %select_n3A_261 = arith.select %lt3A_257, %add3A_158, %add3A_260 : vector<16xi1>, vector<16xi32>
          %max3A_262 = arith.maximumf %gather3A_256, %gather3A_155 : vector<16xf32>
          tpu.vector_store_idx %arg10[%select_n3A_261], %max3A_262 : memref<40016xf32, #tpu.memory_space<vmem>>[vector<16xi32>], vector<16xf32>,
          %or3A_263 = arith.ori %or3A_255, %lt3A_257 : vector<16xi1>
          %gather3A_264 = tpu.vector_load_idx %arg10[%add3A_165] : memref<40016xf32, #tpu.memory_space<vmem>>[vector<16xi32>], vector<16xf32>,
          %lt3A_265 = arith.cmpf olt, %gather3A_264, %gather3A_162 : vector<16xf32>
          %add3A_266 = arith.constant 40000 : i32
          %add3A_267 = vector.broadcast %add3A_266 : i32 to vector<16xi32>
          %add3A_268 = arith.addi %add3A_267, %iota3A : vector<16xi32>
          %select_n3A_269 = arith.select %lt3A_265, %add3A_165, %add3A_268 : vector<16xi1>, vector<16xi32>
          %max3A_270 = arith.maximumf %gather3A_264, %gather3A_162 : vector<16xf32>
          tpu.vector_store_idx %arg10[%select_n3A_269], %max3A_270 : memref<40016xf32, #tpu.memory_space<vmem>>[vector<16xi32>], vector<16xf32>,
          %or3A_271 = arith.ori %or3A_263, %lt3A_265 : vector<16xi1>
          %reduce_or3A_272 = arith.constant 1.000000e+00 : f32
          %reduce_or3A_273 = arith.constant 0.000000e+00 : f32
          %reduce_or3A_274 = vector.broadcast %reduce_or3A_272 : f32 to vector<16xf32>
          %reduce_or3A_275 = vector.broadcast %reduce_or3A_273 : f32 to vector<16xf32>
          %reduce_or3A_276 = arith.select %or3A_271, %reduce_or3A_274, %reduce_or3A_275 : vector<16xi1>, vector<16xf32>
          %reduce_or3A_277 = arith.constant true
          %reduce_or3A_278 = vector.broadcast %reduce_or3A_277 : i1 to vector<16xi1>
          %reduce_or3A_279 = tpu.scan <max>, %reduce_or3A_276 masked %reduce_or3A_278 : vector<16xf32>, vector<16xi1> -> vector<16xf32>
          %reduce_or3A_280 = vector.extract %reduce_or3A_279[15] : f32 from vector<16xf32>
          %reduce_or3A_281 = arith.constant 0.000000e+00 : f32
          %reduce_or3A_282 = arith.cmpf ogt, %reduce_or3A_280, %reduce_or3A_281 : f32
          %while3A_283 = arith.constant 0 : i32
          scf.yield %reduce_or3A_282, %while3A_283 : i1, i32
        }
        %scan3A_207 = arith.constant 0 : i32
        scf.yield %scan3A_207 : i32
      }
      %scan3A_77 = arith.constant 50 : i32
      %scan3A_78 = arith.constant 0 : i32
      scf.yield %scan3A_78 : i32
    }
    %scan3A_39 = arith.constant 200 : i32
    %scan3A_40 = arith.constant 0 : i32
    %scan3A_41 = arith.constant 0 : i32
    %scan3A_42 = arith.constant 2500 : i32
    %scan3A_43 = arith.addi %scan3A_41, %scan3A_42 : i32
    %scan3A_44 = arith.constant 1 : i32
    %scan3A_45 = scf.for %scan3A_47 = %scan3A_41 to %scan3A_43 step %scan3A_44 iter_args(%scan3A_48 = %scan3A_40) -> (i32)  : i32 {
      %mul3A_49 = arith.constant 16 : i32
      %mul3A_50 = arith.muli %scan3A_47, %mul3A_49 : i32
      %get3A = arith.index_cast %mul3A_50 : i32 to index
      %get3A_51 = tpu.vector_load %arg10[%get3A] {strides = array<i32>} : memref<40016xf32, #tpu.memory_space<vmem>>, vector<16xf32>,
      %gt3A = arith.constant 0xFF800000 : f32
      %gt3A_52 = vector.broadcast %gt3A : f32 to vector<16xf32>
      %gt3A_53 = arith.cmpf ogt, %get3A_51, %gt3A_52 : vector<16xf32>
      %jit3A = arith.constant 0.000000e+00 : f32
      %broadcast_in_dim3A_54 = vector.broadcast %jit3A : f32 to vector<16xf32>
      %select_n3A = arith.select %gt3A_53, %get3A_51, %broadcast_in_dim3A_54 : vector<16xi1>, vector<16xf32>
      %swap3A = arith.index_cast %mul3A_50 : i32 to index
      %swap3A_55 = tpu.vector_load %arg10[%swap3A] {strides = array<i32>} : memref<40016xf32, #tpu.memory_space<vmem>>, vector<16xf32>,
      tpu.vector_store %arg10[%swap3A], %select_n3A {strides = array<i32>} : memref<40016xf32, #tpu.memory_space<vmem>>, vector<16xf32>,
      %scan3A_56 = arith.constant 0 : i32
      scf.yield %scan3A_56 : i32
    }
    %scan3A_46 = arith.constant 2500 : i32
    "tpu.region"() ({
      %run_scoped3A = tpu.sem_alloc : memref<!tpu.dma_semaphore, #tpu.memory_space<semaphore_mem>>
      %dma_start3A_47 = arith.constant 0 : i32
      %dma_start3A_48 = tpu.memref_slice %arg10[%dma_start3A_47] : memref<40016xf32, #tpu.memory_space<vmem>> -> memref<40000xf32, #tpu.memory_space<vmem>>
      %dma_start3A_49 = tpu.memref_slice %arg5[%mul3A_2] : memref<1280000xf32, #tpu.memory_space<hbm>> -> memref<40000xf32, #tpu.memory_space<hbm>>
      %dma_start3A_50 = tpu.memref_slice %arg5[%mul3A_2] : memref<1280000xf32, #tpu.memory_space<hbm>> -> memref<40000xf32, #tpu.memory_space<hbm>>
      %dma_start3A_51 = arith.constant 0 : i32
      %dma_start3A_52 = tpu.memref_slice %arg10[%dma_start3A_51] : memref<40016xf32, #tpu.memory_space<vmem>> -> memref<40000xf32, #tpu.memory_space<vmem>>
      tpu.enqueue_dma source(%dma_start3A_52 : memref<40000xf32, #tpu.memory_space<vmem>>) target(%dma_start3A_50 : memref<40000xf32, #tpu.memory_space<hbm>>) target_semaphore(%run_scoped3A : memref<!tpu.dma_semaphore, #tpu.memory_space<semaphore_mem>>)
      %dma_wait3A = arith.constant 0 : i32
      %dma_wait3A_53 = tpu.memref_slice %arg10[%dma_wait3A] : memref<40016xf32, #tpu.memory_space<vmem>> -> memref<40000xf32, #tpu.memory_space<vmem>>
      %dma_wait3A_54 = tpu.memref_slice %arg5[%mul3A_2] : memref<1280000xf32, #tpu.memory_space<hbm>> -> memref<40000xf32, #tpu.memory_space<hbm>>
      %dma_wait3A_55 = tpu.memref_slice %arg5[%mul3A_2] : memref<1280000xf32, #tpu.memory_space<hbm>> -> memref<40000xf32, #tpu.memory_space<hbm>>
      %dma_wait3A_56 = arith.constant 0 : i32
      %dma_wait3A_57 = tpu.memref_slice %arg10[%dma_wait3A_56] : memref<40016xf32, #tpu.memory_space<vmem>> -> memref<40000xf32, #tpu.memory_space<vmem>>
      tpu.wait_dma2 semaphore(%run_scoped3A : memref<!tpu.dma_semaphore, #tpu.memory_space<semaphore_mem>>) src(%dma_wait3A_57 : memref<40000xf32, #tpu.memory_space<vmem>>) dst(%dma_wait3A_55 : memref<40000xf32, #tpu.memory_space<hbm>>)
      tpu.yield
    }) : () -> ()
    "tpu.region"() ({
      %run_scoped3A = tpu.sem_alloc : memref<!tpu.dma_semaphore, #tpu.memory_space<semaphore_mem>>
      %dma_start3A_47 = tpu.memref_slice %arg6[%mul3A_2] : memref<1280000xf32, #tpu.memory_space<hbm>> -> memref<40000xf32, #tpu.memory_space<hbm>>
      %dma_start3A_48 = tpu.memref_slice %arg6[%mul3A_2] : memref<1280000xf32, #tpu.memory_space<hbm>> -> memref<40000xf32, #tpu.memory_space<hbm>>
      tpu.enqueue_dma source(%arg11 : memref<40000xf32, #tpu.memory_space<vmem>>) target(%dma_start3A_48 : memref<40000xf32, #tpu.memory_space<hbm>>) target_semaphore(%run_scoped3A : memref<!tpu.dma_semaphore, #tpu.memory_space<semaphore_mem>>)
      %dma_wait3A = tpu.memref_slice %arg6[%mul3A_2] : memref<1280000xf32, #tpu.memory_space<hbm>> -> memref<40000xf32, #tpu.memory_space<hbm>>
      %dma_wait3A_49 = tpu.memref_slice %arg6[%mul3A_2] : memref<1280000xf32, #tpu.memory_space<hbm>> -> memref<40000xf32, #tpu.memory_space<hbm>>
      tpu.wait_dma2 semaphore(%run_scoped3A : memref<!tpu.dma_semaphore, #tpu.memory_space<semaphore_mem>>) src(%arg11 : memref<40000xf32, #tpu.memory_space<vmem>>) dst(%dma_wait3A_49 : memref<40000xf32, #tpu.memory_space<hbm>>)
      tpu.yield
    }) : () -> ()
    return
  }
}

module attributes {stable_mosaic.version = 14 : i64} {
  func.func @_tc_mlp_body(%arg0: memref<128x10000xf32, #tpu.memory_space<vmem>>, %arg1: memref<128x10000xf32, #tpu.memory_space<vmem>>, %arg2: memref<10000x128xf32, #tpu.memory_space<vmem>>, %arg3: memref<128x128xf32, #tpu.memory_space<vmem>>, %arg4: memref<1x128xf32, #tpu.memory_space<vmem>>, %arg5: memref<128x384xf32, #tpu.memory_space<vmem>>, %arg6: memref<1x128xf32, #tpu.memory_space<vmem>>, %arg7: memref<128x256xf32, #tpu.memory_space<vmem>>, %arg8: memref<1x128xf32, #tpu.memory_space<vmem>>, %arg9: memref<10000x128xf32, #tpu.memory_space<vmem>>) attributes {dimension_semantics = [], scalar_prefetch = 0 : i64, scratch_operands = 0 : i64, tpu.core_type = #tpu.core_type<tc>} {
    %get3A = arith.constant 0 : index
    %get3A_0 = arith.constant 0 : index
    %get3A_1 = vector.load %arg5[%get3A, %get3A_0] : memref<128x384xf32, #tpu.memory_space<vmem>>, vector<128x384xf32>
    %slice3A = vector.extract_strided_slice %get3A_1 {offsets = [0, 0], sizes = [128, 128], strides = [1, 1]} : vector<128x384xf32> to vector<128x128xf32>
    %slice3A_2 = vector.extract_strided_slice %get3A_1 {offsets = [0, 128], sizes = [128, 128], strides = [1, 1]} : vector<128x384xf32> to vector<128x128xf32>
    %add3A = arith.addf %slice3A, %slice3A_2 : vector<128x128xf32>
    %slice3A_3 = vector.extract_strided_slice %get3A_1 {offsets = [0, 256], sizes = [128, 128], strides = [1, 1]} : vector<128x384xf32> to vector<128x128xf32>
    %get3A_4 = arith.constant 0 : index
    %get3A_5 = arith.constant 0 : index
    %get3A_6 = vector.load %arg7[%get3A_4, %get3A_5] : memref<128x256xf32, #tpu.memory_space<vmem>>, vector<128x256xf32>
    %get3A_7 = arith.constant 0 : index
    %get3A_8 = arith.constant 0 : index
    %get3A_9 = vector.load %arg0[%get3A_7, %get3A_8] : memref<128x10000xf32, #tpu.memory_space<vmem>>, vector<128x10000xf32>
    %dot_general3A = arith.constant dense<0.000000e+00> : vector<10000x128xf32>
    %dot_general3A_10 = tpu.matmul %get3A_9, %add3A, %dot_general3A {dimension_numbers = #tpu.dot_dimension_numbers<[0], [1], [1], [0], [0, 1, 1, 0], [], []>, transpose_lhs_hint = false} : vector<128x10000xf32>, vector<128x128xf32>, vector<10000x128xf32> -> vector<10000x128xf32>
    %get3A_11 = arith.constant 0 : index
    %get3A_12 = arith.constant 0 : index
    %get3A_13 = vector.load %arg1[%get3A_11, %get3A_12] : memref<128x10000xf32, #tpu.memory_space<vmem>>, vector<128x10000xf32>
    %dot_general3A_14 = arith.constant dense<0.000000e+00> : vector<10000x128xf32>
    %dot_general3A_15 = tpu.matmul %get3A_13, %slice3A_3, %dot_general3A_14 {dimension_numbers = #tpu.dot_dimension_numbers<[0], [1], [1], [0], [0, 1, 1, 0], [], []>, transpose_lhs_hint = false} : vector<128x10000xf32>, vector<128x128xf32>, vector<10000x128xf32> -> vector<10000x128xf32>
    %add3A_16 = arith.addf %dot_general3A_10, %dot_general3A_15 : vector<10000x128xf32>
    %get3A_17 = arith.constant 0 : index
    %get3A_18 = arith.constant 0 : index
    %get3A_19 = vector.load %arg6[%get3A_17, %get3A_18] : memref<1x128xf32, #tpu.memory_space<vmem>>, vector<1x128xf32>
    %add3A_20 = vector.broadcast %get3A_19 : vector<1x128xf32> to vector<10000x128xf32>
    %add3A_21 = arith.addf %add3A_16, %add3A_20 : vector<10000x128xf32>
    %get3A_22 = arith.constant 0 : index
    %get3A_23 = arith.constant 0 : index
    %get3A_24 = vector.load %arg2[%get3A_22, %get3A_23] : memref<10000x128xf32, #tpu.memory_space<vmem>>, vector<10000x128xf32>
    %get3A_25 = arith.constant 0 : index
    %get3A_26 = arith.constant 0 : index
    %get3A_27 = vector.load %arg3[%get3A_25, %get3A_26] : memref<128x128xf32, #tpu.memory_space<vmem>>, vector<128x128xf32>
    %dot_general3A_28 = arith.constant dense<0.000000e+00> : vector<10000x128xf32>
    %dot_general3A_29 = tpu.matmul %get3A_24, %get3A_27, %dot_general3A_28 {dimension_numbers = #tpu.dot_dimension_numbers<[1], [1], [0], [0], [0, 0, 1, 0], [], []>, transpose_lhs_hint = false} : vector<10000x128xf32>, vector<128x128xf32>, vector<10000x128xf32> -> vector<10000x128xf32>
    %get3A_30 = arith.constant 0 : index
    %get3A_31 = arith.constant 0 : index
    %get3A_32 = vector.load %arg4[%get3A_30, %get3A_31] : memref<1x128xf32, #tpu.memory_space<vmem>>, vector<1x128xf32>
    %add3A_33 = vector.broadcast %get3A_32 : vector<1x128xf32> to vector<10000x128xf32>
    %add3A_34 = arith.addf %dot_general3A_29, %add3A_33 : vector<10000x128xf32>
    %max3A = arith.constant 0.000000e+00 : f32
    %max3A_35 = vector.broadcast %max3A : f32 to vector<10000x128xf32>
    %max3A_36 = arith.maximumf %add3A_21, %max3A_35 : vector<10000x128xf32>
    %max3A_37 = arith.constant 0.000000e+00 : f32
    %max3A_38 = vector.broadcast %max3A_37 : f32 to vector<10000x128xf32>
    %max3A_39 = arith.maximumf %add3A_34, %max3A_38 : vector<10000x128xf32>
    %slice3A_40 = vector.extract_strided_slice %get3A_6 {offsets = [0, 0], sizes = [128, 128], strides = [1, 1]} : vector<128x256xf32> to vector<128x128xf32>
    %dot_general3A_41 = arith.constant dense<0.000000e+00> : vector<10000x128xf32>
    %dot_general3A_42 = tpu.matmul %max3A_36, %slice3A_40, %dot_general3A_41 {dimension_numbers = #tpu.dot_dimension_numbers<[1], [1], [0], [0], [0, 0, 1, 0], [], []>, transpose_lhs_hint = false} : vector<10000x128xf32>, vector<128x128xf32>, vector<10000x128xf32> -> vector<10000x128xf32>
    %slice3A_43 = vector.extract_strided_slice %get3A_6 {offsets = [0, 128], sizes = [128, 128], strides = [1, 1]} : vector<128x256xf32> to vector<128x128xf32>
    %dot_general3A_44 = arith.constant dense<0.000000e+00> : vector<10000x128xf32>
    %dot_general3A_45 = tpu.matmul %max3A_39, %slice3A_43, %dot_general3A_44 {dimension_numbers = #tpu.dot_dimension_numbers<[1], [1], [0], [0], [0, 0, 1, 0], [], []>, transpose_lhs_hint = false} : vector<10000x128xf32>, vector<128x128xf32>, vector<10000x128xf32> -> vector<10000x128xf32>
    %add3A_46 = arith.addf %dot_general3A_42, %dot_general3A_45 : vector<10000x128xf32>
    %get3A_47 = arith.constant 0 : index
    %get3A_48 = arith.constant 0 : index
    %get3A_49 = vector.load %arg8[%get3A_47, %get3A_48] : memref<1x128xf32, #tpu.memory_space<vmem>>, vector<1x128xf32>
    %add3A_50 = vector.broadcast %get3A_49 : vector<1x128xf32> to vector<10000x128xf32>
    %add3A_51 = arith.addf %add3A_46, %add3A_50 : vector<10000x128xf32>
    %max3A_52 = arith.constant 0.000000e+00 : f32
    %max3A_53 = vector.broadcast %max3A_52 : f32 to vector<10000x128xf32>
    %max3A_54 = arith.maximumf %add3A_51, %max3A_53 : vector<10000x128xf32>
    %swap3A = arith.constant 0 : index
    %swap3A_55 = arith.constant 0 : index
    %swap3A_56 = vector.load %arg9[%swap3A, %swap3A_55] : memref<10000x128xf32, #tpu.memory_space<vmem>>, vector<10000x128xf32>
    tpu.vector_store %arg9[%swap3A, %swap3A_55], %max3A_54 {strides = array<i32>} : memref<10000x128xf32, #tpu.memory_space<vmem>>, vector<10000x128xf32>,
    return
  }
}

</mosaic_0001>

<sc_bundles>
// kernel: kernel.4.cloned.1.call-start
scs
__scs_entry_jumppad:
0x0: {  	(pc) =	sbr.rel $0x88, $3  }
0x1: {  	(tag) =	ssettag $0x0;
	lr =	simm.s32 $0x1  }
0x2: {  	[smem:$0x3F98] =	sst lr;
	_ =	strace $0xD0000000  }
0x3: {  	_ = 	snop  }
0x4: {  	_ = 	snop  }
0x5: {  	_ = 	snop  }
0x6: {  	_ = 	snop  }
0x7: {  	_ = 	snop  }
__scs_overlays_trampoline_lowered:
0x8: {  	[smem:$0x3FA7] =	sst s0  }
0x9: {  	[smem:$0x3FA8] =	sst s1  }
0xa: {  	[smem:$0x3FA9] =	sst s2  }
0xb: {  	[smem:$0x3FAA] =	sst s3  }
0xc: {  	[smem:$0x3FAB] =	sst s4  }
0xd: {  	[smem:$0x3FAC] =	sst s5  }
0xe: {  	[smem:$0x3FAD] =	sst s6  }
0xf: {  	[smem:$0x3FAE] =	sst s7  }
0x10: {  	[smem:$0x3FAF] =	sst s8  }
0x11: {  	[smem:$0x3FB0] =	sst s9;
	s0 =	simm.s32 @!p0 $0x0  }
0x12: {  	s1 =	sld [smem:$0x3F96];
	s0 =	simm.s32 @p0 $0x1  }
0x13: {  	[smem:$0x3FB1] =	sst s0;
	s0 =	simm.s32 @!p1 $0x0  }
0x14: {  	s2 =	sld [smem:$0x3F95];
	s0 =	simm.s32 @p1 $0x1  }
0x15: {  	[smem:$0x3FB2] =	sst s0;
	s0 =	simm.s32 @!p2 $0x0  }
0x16: {  	s3 =	sld [smem:$0x3FDB];
	s0 =	simm.s32 @p2 $0x1  }
0x17: {  	s4 =	simm.s32 $0x1BF5;
	[smem:$0x3FB4] =	sst s0  }
0x18: {  	s0 =	sld [smem:$0x3F97];
	_ =	swait.ge [sflag:s4], $0x0  }
0x19: {  	s7 =	sld [smem:$0x3F98]  }
0x1a: {  	s8 =	sadd.s32 $0xFFFFE003, lr  }
0x1b: {  	s9 =	sadd.s32 $0xFFFFFEF7, lr;
	s5 =	simm.s32 $0xFFFFFFFF;
	p2 =	slt.u32 s8, $0xFFFFF086  }
0x1c: {  	p1 =	slt.u32 s9, $0xF7A;
	s5 =	simm.s32 @!p2 $0x0  }
0x1d: {  	s5 =	simm.s32 @p1 $0x1;
	p0 =	seq.s32 s7, s2  }
0x1e: {  	s7 =	smul.u32 @!p0 $0xF7A, s2;
	p2 =	seq.s32 @!p0 s5, $0x0  }
0x1f: {  	s9 =	smul.u32 $0xF7A, s1;
	s8 =	simm.s32 @!p0 $0x1BF5;
	p2 =	por !p2, p0  }
0x20: {  	[sflag:s8] =	ssyncset.s32 @!p0 $0xFFFFF086;
	s6 =	sadd.s32 @!p0 s3, s7;
	s7 =	simm.s32 @!p0 $0x108  }
0x21: {  	s3 =	sadd.s32 s3, s9;
	s6 =	sadd.s32 @!p0 $0x88, s6;
	s7 =	simm.s32 @p2 $0x1082  }
0x22: {  	[simem:s7], [sflag:s8] =	dma.local @!p0 [hbm:s6], $0xF7A  }
0x23: {  	s9 =	sor.u32 $0xD0000000, s2;
	s6 =	simm.s32 $0x108;
	_ =	swait.ge @!p0 [sflag:s8], $0x0  }
0x24: {  	s3 =	sadd.s32 $0x88, s3;
	s6 =	simm.s32 @!p1 $0x1082;
	[sflag:s4] =	ssyncset.s32 $0xFFFFF086  }
0x25: {  	[simem:s6], [sflag:s4] =	dma.local [hbm:s3], $0xF7A  }
0x26: {  	[smem:$0x3F98] =	sst s1;
	(tag) =	ssettag s2;
	_ =	strace s9  }
0x27: {  	s1 =	sld [smem:$0x3FA8]  }
0x28: {  	s2 =	sld [smem:$0x3FA9]  }
0x29: {  	s4 =	sld [smem:$0x3FAB]  }
0x2a: {  	p0 =	seq.s32 s5, $0x0;
	s5 =	sld [smem:$0x3FAC]  }
0x2b: {  	s6 =	sld [smem:$0x3FAD]  }
0x2c: {  	s7 =	sld [smem:$0x3FAE]  }
0x2d: {  	s3 =	simm.s32 $0x108;
	s8 =	sld [smem:$0x3FAF]  }
0x2e: {  	s3 =	simm.s32 @!p0 $0x1082;
	s9 =	sld [smem:$0x3FB0]  }
0x2f: {  	lr =	sadd.s32 s0, s3;
	s0 =	sld [smem:$0x3FA7]  }
0x30: {  	s3 =	sld [smem:$0x3FAA]  }
0x31: {  	[smem:$0x3FB3] =	sst s10  }
0x32: {  	s10 =	sld [smem:$0x3FB1];
	_ =	sdelay $0x3  }
0x33: {  	p0 =	seq.s32 s10, $0x1;
	s10 =	sld [smem:$0x3FB3];
	_ =	sdelay $0x3  }
0x34: {  	[smem:$0x3FB3] =	sst s10  }
0x35: {  	s10 =	sld [smem:$0x3FB2];
	_ =	sdelay $0x3  }
0x36: {  	p1 =	seq.s32 s10, $0x1;
	s10 =	sld [smem:$0x3FB3];
	_ =	sdelay $0x3  }
0x37: {  	[smem:$0x3FB3] =	sst s10  }
0x38: {  	s10 =	sld [smem:$0x3FB4]  }
0x39: {  	_ = 	snop;
	(pc) =	sbr.ind lr, $3  }
0x3a: {  	_ = 	snop  }
0x3b: {  	_ = 	snop  }
0x3c: {  	p2 =	seq.s32 s10, $0x1;
	s10 =	sld [smem:$0x3FB3]  }
0x3d: {  	_ =	shalt  }
0x3e: {  	_ =	shalt  }
0x3f: {  	_ =	shalt  }
0x40: {  	_ =	shalt  }
0x41: {  	_ =	shalt  }
0x42: {  	_ =	shalt  }
0x43: {  	_ =	shalt  }
0x44: {  	_ =	shalt  }
0x45: {  	_ =	shalt  }
0x46: {  	_ =	shalt  }
0x47: {  	_ =	shalt  }
0x48: {  	_ =	shalt  }
0x49: {  	_ =	shalt  }
0x4a: {  	_ =	shalt  }
0x4b: {  	_ =	shalt  }
0x4c: {  	_ =	shalt  }
0x4d: {  	_ =	shalt  }
0x4e: {  	_ =	shalt  }
0x4f: {  	_ =	shalt  }
0x50: {  	_ =	shalt  }
0x51: {  	_ =	shalt  }
0x52: {  	_ =	shalt  }
0x53: {  	_ =	shalt  }
0x54: {  	_ =	shalt  }
0x55: {  	_ =	shalt  }
0x56: {  	_ =	shalt  }
0x57: {  	_ =	shalt  }
0x58: {  	_ =	shalt  }
0x59: {  	_ =	shalt  }
0x5a: {  	_ =	shalt  }
0x5b: {  	_ =	shalt  }
0x5c: {  	_ =	shalt  }
0x5d: {  	_ =	shalt  }
0x5e: {  	_ =	shalt  }
0x5f: {  	_ =	shalt  }
0x60: {  	_ =	shalt  }
0x61: {  	_ =	shalt  }
0x62: {  	_ =	shalt  }
0x63: {  	_ =	shalt  }
0x64: {  	_ =	shalt  }
0x65: {  	_ =	shalt  }
0x66: {  	_ =	shalt  }
0x67: {  	_ =	shalt  }
0x68: {  	_ =	shalt  }
0x69: {  	_ =	shalt  }
0x6a: {  	_ =	shalt  }
0x6b: {  	_ =	shalt  }
0x6c: {  	_ =	shalt  }
0x6d: {  	_ =	shalt  }
0x6e: {  	_ =	shalt  }
0x6f: {  	_ =	shalt  }
0x70: {  	_ =	shalt  }
0x71: {  	_ =	shalt  }
0x72: {  	_ =	shalt  }
0x73: {  	_ =	shalt  }
0x74: {  	_ =	shalt  }
0x75: {  	_ =	shalt  }
0x76: {  	_ =	shalt  }
0x77: {  	_ =	shalt  }
0x78: {  	_ =	shalt  }
0x79: {  	_ =	shalt  }
0x7a: {  	_ =	shalt  }
0x7b: {  	_ =	shalt  }
0x7c: {  	_ =	shalt  }
0x7d: {  	_ =	shalt  }
0x7e: {  	_ =	shalt  }
0x7f: {  	_ =	shalt  }
0x80: {  	_ =	shalt  }
0x81: {  	_ =	shalt  }
0x82: {  	_ =	shalt  }
0x83: {  	_ =	shalt  }
0x84: {  	_ =	shalt  }
0x85: {  	_ =	shalt  }
0x86: {  	_ =	shalt  }
0x87: {  	_ =	shalt  }
.Lfunc_end0:
.L_simem_size_0:
called_computation_lowered:
.L_overlay_start_0:
0x88: {  	s2 =	sld [smem:$0x3FD9]  }
0x89: {  	s3 =	sld [smem:$0x3FFE];
	_ =	sdelay $0x1  }
0x8a: {  	s1 =	srdreg.scid  }
0x8b: {  	s0 =	sand.u32 $0x1, s1  }
0x8c: {  	s17 =	sshll.u32 s0, $0xA;
	s2 =	sadd.s32 s3, s2  }
0x8d: {  	s2 =	sadd.s32 s2, s17  }
0x8e: {  	[smem:$0x3FBF] =	sst s2  }
0x8f: {  	_ = 	snop  }
0x90: {  	s2 =	sld [smem:$0x3FD0];
	(tm) =	ssettm $0x1  }
0x91: {  	s18 =	sld [smem:$0x3FFB];
	_ =	sdelay $0x3  }
0x92: {  	_ =	strace s18  }
0x93: {  	s3 =	sld [smem:$0x3FFC];
	_ =	sdelay $0x3  }
0x94: {  	_ =	strace s3  }
0x95: {  	s3 =	sld [smem:$0x3FFD];
	_ =	sdelay $0x3  }
0x96: {  	_ =	strace s3  }
0x97: {  	_ =	strace $0x8FFFFFFF  }
0x98: {  	s19 =	sld [smem:$0x3FDB];
	_ =	sdelay $0x1  }
0x99: {  	s4 =	simm.s32 $_scs_section_size  }
0x9a: {  	s5 =	simm.s32 $_size__tile_overlayer_lowered;
	s6 =	simm.s32 $_tile_overlayer_lowered  }
0x9b: {  	s22 =	simm.s32 $0x1BFF;
	s21 =	sshll.u32 s6, $0x1;
	s3 =	sadd.s32 s4, s19  }
0x9c: {  	s7 =	simm.s32 $0x0;
	s20 =	sshll.u32 s5, $0x1;
	s5 =	sadd.s32 s21, s3  }
0x9d: {  	[timem:s7], [sflag:s22] =	dma.local [hbm:s5], s20  }
0x9e: {  	_ =	swait.ge [sflag:s22], s20  }
0x9f: {  	s4 =	ssub.s32 $0x0, s20;
	[sflag:s22] =	ssyncset.done $0x0  }
0xa0: {  	[sflag:s22] =	ssyncadd.s32 s4;
	_ =	sdelay $0x1  }
0xa1: {  	s23 =	simm.s32 $0x1B8B  }
0xa2: {  	_ =	swait.ge [sflag:s23], $0x1  }
0xa3: {  	[sflag:s23] =	ssyncset.done $0x0  }
0xa4: {  	s25 =	simm.s32 $0x1B8E;
	s24 =	sld [smem:$0x3FFE];
	[sflag:s23] =	ssyncadd.s32 $0xFFFFFFFF  }
0xa5: {  	s26 =	simm.s32 $execute0_lowered;
	[smem:$0x3FD2] =	sst s25  }
0xa6: {  	s5 =	sshll.u32 s26, $0x1;
	_ =	strace $0x80000046;
	[dreg:$0x1] =	wrdreg $0xFFFFFFFF  }
0xa7: {  	s28 =	simm.s32 $_size_execute0_lowered;
	s3 =	sadd.s32 s3, s5;
	[dreg:$0x0] =	wrdreg $0x0  }
0xa8: {  	s5 =	sshll.u32 s28, $0x1;
	[dreg:$0x2] =	wrdreg s3  }
0xa9: {  	[dreg:$0x3] =	wrdreg s5  }
0xaa: {  	[dreg:$0x4] =	wrdreg $0xC0  }
0xab: {  	_ =	task [dreg:s7], $0x5FFFF  }
0xac: {  	[dreg:$0x1] =	wrdreg $0xFFFFFFFF  }
0xad: {  	[dreg:$0x0] =	wrdreg $0x60  }
0xae: {  	[dreg:$0x2] =	wrdreg s2  }
0xaf: {  	[dreg:$0x3] =	wrdreg s24  }
0xb0: {  	[dreg:$0x4] =	wrdreg $0x9  }
0xb1: {  	_ =	task.clear_ibuf [dreg:s7], $0x5FFFF;
	_ =	strace $0x90000046  }
0xb2: {  	s29 =	simm.s32 $0x9;
	_ =	strace $0x80000048  }
0xb3: {  	_ =	swait.ge [sflag:s29], $0x1  }
0xb4: {  	[sflag:s29] =	ssyncadd.s32 $0xFFFFFFFF  }
0xb5: {  	_ =	strace $0x90000048  }
0xb6: {  	_ =	sfence  }
0xb7: {  	s30 =	sld [smem:$0x0];
	_ =	sdelay $0x2  }
0xb8: {  	s31 =	sshll.u32 s1, $0xD;
	s1 =	sshrl.u32 s1, $0x2  }
0xb9: {  	s3 =	sand.u32 $0x4000, s31;
	s1 =	sadd.s32 s1, s30  }
0xba: {  	s0 =	sor.u32 s3, s0;
	s1 =	sshll.u32 s1, $0x11  }
0xbb: {  	s0 =	sor.u32 s1, s0  }
0xbc: {  	s0 =	sadd.s32 $0x8F2B, s0  }
0xbd: {  	[sflag:s0] =	ssyncadd.remote.s32 $0x1  }
0xbe: {  	_ =	sfence.sel $0xFFFF  }
0xbf: {  	[dreg:$0x0] =	wrdreg $0xFFFFFFFF;
	(pc) =	sbr.abs _section_cstart, $3  }
0xc0: {  	[dreg:$0x1] =	wrdreg $0xFFFFFFFF  }
0xc1: {  	_ =	task.clear_ibuf [dreg:s7], $0x2FFFF;
	_ =	strace $0x9FFFFFFF  }
0xc2: {  	(tm) =	ssettm $0x7FFFFFFF  }
0xc3: {  	_ =	shalt  }
tec
execute0_lowered:
.L_overlay_start_1:
0x0: {  	(tag) =	ssettag $0x1  }
0x1: {  	s5 =	rddreg [dreg:$0x0];
	s1 =	srdreg.scid  }
0x2: {  	s0 =	stileid.u32;
	s6 =	rddreg [dreg:$0x1];
	s2 =	simm.s32 $0x0  }
0x3: {  	s10 =	simm.s32 $0x5;
	s11 =	simm.s32 $0xC80;
	s12 =	simm.s32 $0x1EE80  }
0x4: {  	s13 =	simm.s32 $0xB580;
	s14 =	simm.s32 $0x15200;
	s15 =	simm.s32 $0x0  }
0x5: {  	s4 =	sand.u32 $0x1, s1;
	s3 =	sshll.u32 s0, $0x1;
	s1 =	rddreg [dreg:$0x2]  }
0x6: {  	[smem:$0x7FF] =	sst s2;
	s3 =	sor.u32 s4, s3;
	s8 =	ssub.s32 $0x2, s4  }
0x7: {  	_ =	strace $0x80000047;
	s7 =	smul.u32 $0x1388, s3;
	s31 =	sshrl.u32 s8, $0x1  }
0x8: {  	s4 =	sadd.s32 $0x1800, s6;
	s3 =	sadd.s32 $0xB600, s6;
	s8 =	ssub.s32 s8, s31  }
0x9: {  	v0 =	vimm.f32 $-Inf;
	v1 =	vlaneseq.u32;
	s9 =	sadd.s32 s7, s6;
	s5 =	sadd.s32 s5, s7;
	s8 =	smax.u32 s8, $0x1  }
0xa: {  	v2 =	vimm.f32 $0.0e+00;
	v3 =	vor.u32 $0x10, v1;
	v4 =	vor.u32 $0x9C40, v1;
	s6 =	sadd.s32 $0x15400, s9;
	s7 =	sadd.s32 $0x3C600, s9;
	s9 =	simm.s32 $0x1900  }
.LBB2_1:
0xb: {  	[tilespmem:s9], [sflag:$0x5] =	stream.linear.gather [hbm4b:s5+s2], $0x9C40, $0x38;
	[tilespmem:$0x1FE80] =	vst v63  }
0xc: {  	_ =	swait.ge [sflag:s10], $0x9C40  }
0xd: {  	[sflag:s10] =	ssyncset.done $0x0  }
0xe: {  	s16 =	simm.s32 $0x40;
	s17 =	simm.s32 $0x0;
	[sflag:s10] =	ssyncadd.s32 $0xFFFF63C0  }
.LBB2_2:
0xf: {  	p0 =	sne.s32 s16, $0x270C0;
	[tilespmem:s17+$0xB580] =	vst v0;
	s18 =	smov.u32 s16;
	s16 =	sadd.s32 $0x40, s16  }
.Ltmp0:
0x10: {  	[tilespmem:s17+$0x15200] =	vst v2;
	(pc) =	sbr.rel @p0 .LBB2_2-.Ltmp0, $2  }
0x11: {  	_ =	sdelay $0x2  }
0x12: {  	s17 =	sshra.s32 s18, $0x2  }
.Ltmp1:
0x13: {  	[tilespmem:s17+$0xB580] =	vst v0;
	(pc) =	sbr.rel .LBB2_5-.Ltmp1, $4  }
0x14: {  	[tilespmem:s17+$0x15200] =	vst v2;
	s16 =	simm.s32 $0x0  }
0x15: {  	[tilespmem:s16], [sflag:$0x1] =	stream.linear.gather [hbm4b:s4+s16], $0x640, $0x38;
	[tilespmem:$0x1FE80] =	vst v63  }
0x16: {  	_ = 	snop  }
0x17: {  	[tilespmem:s11], [sflag:$0x3] =	stream.linear.gather [hbm4b:s3+s16], $0x640, $0x38;
	[tilespmem:$0x1FE80] =	vst v63  }
.LBB2_4:
0x18: {  	p0 =	seq.s32 s16, $0xC8  }
.Ltmp2:
0x19: {  	_ = 	snop;
	(pc) =	sbr.rel @p0 .LBB2_9-.Ltmp2, $1  }
0x1a: {  	_ =	sdelay $0x3  }
.LBB2_5:
0x1b: {  	s18 =	sand.u32 $0x1, s16  }
0x1c: {  	s17 =	smov.u32 s16;
	s16 =	sadd.s32 $0x1, s18  }
0x1d: {  	_ =	swait.ge [sflag:s16], $0x640  }
0x1e: {  	[sflag:s16] =	ssyncset.done $0x0  }
0x1f: {  	s19 =	smul.u32 $0x640, s18;
	s20 =	sadd.s32 $0x3, s18;
	[sflag:s16] =	ssyncadd.s32 $0xFFFFF9C0  }
0x20: {  	p0 =	seq.s32 s17, $0xC7;
	s16 =	sadd.s32 $0x1, s17;
	_ =	swait.ge [sflag:s20], $0x640  }
0x21: {  	s17 =	sxor.u32 @!p0 $0x1, s18;
	s18 =	smul.u32 @!p0 $0xC8, s16;
	[sflag:s20] =	ssyncset.done $0x0  }
0x22: {  	s23 =	simm.s32 @!p0 $0x0;
	[sflag:s20] =	ssyncadd.s32 $0xFFFFF9C0;
	s20 =	smul.u32 @!p0 $0x640, s17  }
.Ltmp3:
0x23: {  	s21 =	sadd.s32 @!p0 $0x1, s17;
	s22 =	sadd.s32 @!p0 s4, s18;
	(pc) =	sbr.rel .LBB2_6-.Ltmp3, $4  }
0x24: {  	[tilespmem:s20], [sflag:s21] =	stream.linear.gather @!p0 [hbm4b:s22+s23], $0x640, $0x38;
	[tilespmem:$0x1FE80] =	vst v63  }
0x25: {  	s17 =	sadd.s32 @!p0 $0x3, s17;
	s18 =	sadd.s32 @!p0 s3, s18;
	s20 =	sadd.s32 @!p0 $0xC80, s20  }
0x26: {  	[tilespmem:s20], [sflag:s17] =	stream.linear.gather @!p0 [hbm4b:s18+s23], $0x640, $0x38;
	[tilespmem:$0x1FE80] =	vst v63  }
0x27: {  	v5 =	vmov s19;
	s17 =	simm.s32 $0x0  }
.LBB2_8:
0x28: {  	s17 =	sadd.s32 $0x1, s17  }
0x29: {  	p0 =	seq.s32 s17, $0x32  }
.Ltmp4:
0x2a: {  	_ = 	snop;
	(pc) =	sbr.rel @p0 .LBB2_4-.Ltmp4, $1  }
0x2b: {  	_ =	sdelay $0x3  }
.LBB2_6:
0x2c: {  	_ =	sdelay $0x2  }
0x2d: {  	s18 =	sshll.u32 s17, $0x5  }
0x2e: {  	v8 =	vld.idx.msk [tilespmem:v5+s18+$0xC80 ss:$0x1], $0xffff  }
0x2f: {  	v12 =	vld.idx.msk [tilespmem:v5+s18+$0xC90 ss:$0x1], $0xffff;
	_ =	sdelay $0x3  }
0x30: {  	v6 =	vld.idx.msk [tilespmem:v5+s18+$0x0 ss:$0x1], $0xffff;
	v9 =	vadd.s32 $0x2710, v8  }
0x31: {  	v7 =	vld.idx.msk [tilespmem:v5+s18+$0x10 ss:$0x1], $0xffff;
	v10 =	vadd.s32 $0x4E20, v8  }
0x32: {  	v11 =	vadd.s32 $0x7530, v8  }
0x33: {  	v13 =	vadd.s32 $0x2710, v12;
	v8 =	vld.idx.msk [tilespmem:v8+s9+$0x0], $0xffff  }
0x34: {  	v14 =	vadd.s32 $0x4E20, v12;
	v15 =	vadd.s32 $0x7530, v12;
	v12 =	vld.idx.msk [tilespmem:v12+s9+$0x0], $0xffff  }
0x35: {  	v16 =	vand.u32 $0xFFF, v6;
	v9 =	vld.idx.msk [tilespmem:v9+s9+$0x0], $0xffff  }
0x36: {  	v17 =	vand.u32 $0xFFF, v7;
	v10 =	vld.idx.msk [tilespmem:v10+s9+$0x0], $0xffff  }
0x37: {  	v11 =	vld.idx.msk [tilespmem:v11+s9+$0x0], $0xffff  }
0x38: {  	v13 =	vld.idx.msk [tilespmem:v13+s9+$0x0], $0xffff  }
0x39: {  	v14 =	vld.idx.msk [tilespmem:v14+s9+$0x0], $0xffff  }
0x3a: {  	v15 =	vld.idx.msk [tilespmem:v15+s9+$0x0], $0xffff;
	[tilespmem:v16+s12+$0x0] =	vst.idx.msk $0xffff, v1  }
0x3b: {  	[tilespmem:v17+s12+$0x0] =	vst.idx.msk $0xffff, v3  }
0x3c: {  	v16 =	vld.idx.msk [tilespmem:v16+s12+$0x0], $0xffff  }
0x3d: {  	v17 =	vld.idx.msk [tilespmem:v17+s12+$0x0], $0xffff;
	_ =	sdelay $0x4  }
0x3e: {  	vm0 =	vne.s32 v16, v1;
	vm1 =	vne.s32 v17, v3  }
0x3f: {  	vm0 =	vmor vm0, vm1  }
0x40: {  	v19 =	vsel vm0, $0x3F800000, v2  }
0x41: {  	(xrf0) =	vmax.scan.msk.f32 $0xffff, v19  }
0x42: {  	v18 =	vadd.s32 $0x7530, v6;
	_ =	sdelay $0x1  }
0x43: {  	v20 =	vadd.s32 $0x4E20, v7  }
0x44: {  	v21 =	vadd.s32 $0x7530, v7  }
0x45: {  	v22 =	vld.idx.msk [tilespmem:v6+s13+$0x0], $0xffff;
	v16 =	vadd.s32 $0x2710, v6  }
0x46: {  	v25 =	vld.idx.msk [tilespmem:v18+s13+$0x0], $0xffff;
	v17 =	vadd.s32 $0x4E20, v6;
	v27, _, _ =	vpop (xrf0)  }
0x47: {  	v26 =	vld.idx.msk [tilespmem:v7+s13+$0x0], $0xffff;
	v19 =	vadd.s32 $0x2710, v7;
	(v2sf) =	vpush v27, $0xF  }
0x48: {  	v63 =	vld.idx.msk [tilespmem:v20+s13+$0x0], $0xffff  }
0x49: {  	v29 =	vld.idx.msk [tilespmem:v21+s13+$0x0], $0xffff  }
0x4a: {  	v23 =	vld.idx.msk [tilespmem:v16+s13+$0x0], $0xffff  }
0x4b: {  	v24 =	vld.idx.msk [tilespmem:v17+s13+$0x0], $0xffff  }
0x4c: {  	v28 =	vld.idx.msk [tilespmem:v19+s13+$0x0], $0xffff  }
0x4d: {  	v22 =	vmax.f32 v22, v8;
	[tilespmem:v6+s14+$0x0] =	vst.idx.add.f32.msk $0xffff, v8  }
0x4e: {  	[tilespmem:v6+s13+$0x0] =	vst.idx.msk $0xffff, v22  }
0x4f: {  	v22 =	vmax.f32 v23, v9;
	[tilespmem:v16+s14+$0x0] =	vst.idx.add.f32.msk $0xffff, v9  }
0x50: {  	[tilespmem:v16+s13+$0x0] =	vst.idx.msk $0xffff, v22  }
0x51: {  	v22 =	vmax.f32 v24, v10;
	[tilespmem:v17+s14+$0x0] =	vst.idx.add.f32.msk $0xffff, v10  }
0x52: {  	[tilespmem:v17+s13+$0x0] =	vst.idx.msk $0xffff, v22  }
0x53: {  	v22 =	vmax.f32 v25, v11;
	[tilespmem:v18+s14+$0x0] =	vst.idx.add.f32.msk $0xffff, v11  }
0x54: {  	[tilespmem:v18+s13+$0x0] =	vst.idx.msk $0xffff, v22  }
0x55: {  	v22 =	vmax.f32 v26, v12;
	[tilespmem:v7+s14+$0x0] =	vst.idx.add.f32.msk $0xffff, v12  }
0x56: {  	[tilespmem:v7+s13+$0x0] =	vst.idx.msk $0xffff, v22;
	s31 =	spop (v2sf)  }
0x57: {  	v22 =	vmax.f32 v28, v13;
	[tilespmem:v19+s14+$0x0] =	vst.idx.add.f32.msk $0xffff, v13;
	p0 =	sgt.f32 s31, $0.0e+00  }
.Ltmp5:
0x58: {  	[tilespmem:v19+s13+$0x0] =	vst.idx.msk $0xffff, v22;
	(pc) =	sbr.rel @!p0 .LBB2_8-.Ltmp5, $4  }
0x59: {  	v22 =	vmax.f32 v63, v14;
	[tilespmem:v20+s14+$0x0] =	vst.idx.add.f32.msk $0xffff, v14  }
0x5a: {  	[tilespmem:v20+s13+$0x0] =	vst.idx.msk $0xffff, v22  }
0x5b: {  	v22 =	vmax.f32 v29, v15;
	[tilespmem:v21+s14+$0x0] =	vst.idx.add.f32.msk $0xffff, v15  }
0x5c: {  	[tilespmem:v21+s13+$0x0] =	vst.idx.msk $0xffff, v22  }
.LBB2_7:
0x5d: {  	v22 =	vld.idx.msk [tilespmem:v6+s13+$0x0], $0xffff;
	_ =	sdelay $0x4  }
0x5e: {  	vm0 =	vlt.f32 v22, v8  }
0x5f: {  	v23 =	vsel vm0, v6, v4;
	_ =	sdelay $0x3  }
0x60: {  	v22 =	vmax.f32 v22, v8  }
0x61: {  	[tilespmem:v23+s13+$0x0] =	vst.idx.msk $0xffff, v22  }
0x62: {  	v22 =	vld.idx.msk [tilespmem:v16+s13+$0x0], $0xffff;
	_ =	sdelay $0x4  }
0x63: {  	vm1 =	vlt.f32 v22, v9  }
0x64: {  	v23 =	vsel vm1, v16, v4;
	_ =	sdelay $0x3  }
0x65: {  	v22 =	vmax.f32 v22, v9  }
0x66: {  	[tilespmem:v23+s13+$0x0] =	vst.idx.msk $0xffff, v22  }
0x67: {  	v22 =	vld.idx.msk [tilespmem:v17+s13+$0x0], $0xffff;
	_ =	sdelay $0x4  }
0x68: {  	vm2 =	vlt.f32 v22, v10  }
0x69: {  	v23 =	vsel vm2, v17, v4;
	_ =	sdelay $0x3  }
0x6a: {  	v22 =	vmax.f32 v22, v10  }
0x6b: {  	[tilespmem:v23+s13+$0x0] =	vst.idx.msk $0xffff, v22  }
0x6c: {  	v22 =	vld.idx.msk [tilespmem:v18+s13+$0x0], $0xffff;
	_ =	sdelay $0x4  }
0x6d: {  	vm3 =	vlt.f32 v22, v11  }
0x6e: {  	v23 =	vsel vm3, v18, v4;
	_ =	sdelay $0x3  }
0x6f: {  	v22 =	vmax.f32 v22, v11  }
0x70: {  	[tilespmem:v23+s13+$0x0] =	vst.idx.msk $0xffff, v22  }
0x71: {  	v22 =	vld.idx.msk [tilespmem:v7+s13+$0x0], $0xffff;
	_ =	sdelay $0x4  }
0x72: {  	vm4 =	vlt.f32 v22, v12  }
0x73: {  	v23 =	vsel vm4, v7, v4;
	_ =	sdelay $0x3  }
0x74: {  	v22 =	vmax.f32 v22, v12  }
0x75: {  	[tilespmem:v23+s13+$0x0] =	vst.idx.msk $0xffff, v22  }
0x76: {  	v22 =	vld.idx.msk [tilespmem:v19+s13+$0x0], $0xffff;
	_ =	sdelay $0x4  }
0x77: {  	vm5 =	vlt.f32 v22, v13  }
0x78: {  	v23 =	vsel vm5, v19, v4;
	_ =	sdelay $0x3  }
0x79: {  	v22 =	vmax.f32 v22, v13  }
0x7a: {  	[tilespmem:v23+s13+$0x0] =	vst.idx.msk $0xffff, v22  }
0x7b: {  	v22 =	vld.idx.msk [tilespmem:v20+s13+$0x0], $0xffff;
	_ =	sdelay $0x4  }
0x7c: {  	vm6 =	vlt.f32 v22, v14  }
0x7d: {  	v23 =	vsel vm6, v20, v4;
	_ =	sdelay $0x3  }
0x7e: {  	v22 =	vmax.f32 v22, v14  }
0x7f: {  	[tilespmem:v23+s13+$0x0] =	vst.idx.msk $0xffff, v22  }
0x80: {  	vm0 =	vmor vm0, vm1;
	v22 =	vld.idx.msk [tilespmem:v21+s13+$0x0], $0xffff  }
0x81: {  	vm0 =	vmor vm0, vm2  }
0x82: {  	vm0 =	vmor vm0, vm3  }
0x83: {  	vm0 =	vmor vm0, vm4  }
0x84: {  	vm0 =	vmor vm0, vm5  }
0x85: {  	vm0 =	vmor vm0, vm6;
	vm15 =	vlt.f32 v22, v15  }
0x86: {  	vm0 =	vmor vm0, vm15  }
0x87: {  	v23 =	vsel vm0, $0x3F800000, v2  }
0x88: {  	(xrf0) =	vmax.scan.msk.f32 $0xffff, v23;
	_ =	sdelay $0x5  }
0x89: {  	v23, _, _ =	vpop (xrf0)  }
0x8a: {  	(v2sf) =	vpush v23, $0xF;
	_ =	sdelay $0xe  }
0x8b: {  	s18 =	spop (v2sf)  }
0x8c: {  	v23 =	vsel vm15, v21, v4;
	p0 =	sgt.f32 s18, $0.0e+00  }
.Ltmp6:
0x8d: {  	_ = 	snop;
	(pc) =	sbr.rel @p0 .LBB2_7-.Ltmp6, $3  }
0x8e: {  	_ =	sdelay $0x1  }
0x8f: {  	v22 =	vmax.f32 v22, v15  }
0x90: {  	[tilespmem:v23+s13+$0x0] =	vst.idx.msk $0xffff, v22  }
.Ltmp7:
0x91: {  	_ = 	snop;
	(pc) =	sbr.rel .LBB2_8-.Ltmp7, $1  }
0x92: {  	_ =	sdelay $0x3  }
.LBB2_9:
0x93: {  	s16 =	simm.s32 $0x0;
	s17 =	simm.s32 $0x40  }
.LBB2_10:
0x94: {  	p0 =	sne.s32 s17, $0x270C0;
	v5 =	vld [tilespmem:s16+$0xB580];
	_ =	sdelay $0x3  }
.Ltmp8:
0x95: {  	(pc) =	sbr.rel @p0 .LBB2_10-.Ltmp8, $4  }
0x96: {  	vm0 =	vlt.f32 v5, $-Inf;
	vm1 =	vgt.f32 v5, $-Inf  }
0x97: {  	vm0 =	vmor vm1, vm0  }
0x98: {  	v5 =	vnsel vm0, $0x0, v5  }
0x99: {  	[tilespmem:s16+$0xB580] =	vst v5;
	s16 =	sshra.s32 s17, $0x2;
	s17 =	sadd.s32 $0x40, s17  }
0x9a: {  	v5 =	vld [tilespmem:s16+$0xB580];
	_ =	sdelay $0x4  }
0x9b: {  	vm0 =	vlt.f32 v5, $-Inf;
	vm1 =	vgt.f32 v5, $-Inf  }
0x9c: {  	vm0 =	vmor vm1, vm0  }
0x9d: {  	v5 =	vnsel vm0, $0x0, v5  }
0x9e: {  	[tilespmem:s16+$0xB580] =	vst v5  }
0x9f: {  	[hbm4b:s6+s2] =	stream.linear.scatter [tilespmem:s13], [sflag:$0x5], $0x9C40, $0x38;
	[tilespmem:$0x1FE80] =	vst v63  }
0xa0: {  	s15 =	sadd.s32 $0x1, s15;
	_ =	swait.ge [sflag:s10], $0x9C40  }
0xa1: {  	p0 =	sne.s32 s15, s8;
	[sflag:s10] =	ssyncset.done $0x0  }
.Ltmp9:
0xa2: {  	[sflag:s10] =	ssyncadd.s32 $0xFFFF63C0;
	(pc) =	sbr.rel @p0 .LBB2_1-.Ltmp9, $4  }
0xa3: {  	[hbm4b:s7+s2] =	stream.linear.scatter [tilespmem:s14], [sflag:$0x5], $0x9C40, $0x38;
	[tilespmem:$0x1FE80] =	vst v63  }
0xa4: {  	_ =	swait.ge [sflag:s10], $0x9C40  }
0xa5: {  	[sflag:s10] =	ssyncset.done $0x0  }
0xa6: {  	[sflag:s10] =	ssyncadd.s32 $0xFFFF63C0  }
0xa7: {  	_ =	sfence.sel $0x180000  }
0xa8: {  	[bflag:$0x0] =	sbarrier.arrive $0xFFFF  }
0xa9: {  	p0 =	sne.s32 s0, $0x0;
	_ =	strace $0x90000047  }
0xaa: {  	s0 =	sadd.s32 @!p0 $0x100000, s1;
	[bflag:$0x2] =	sbarrier.arrive $0xFFFF  }
0xab: {  	[sflag:s0] =	ssyncadd.tile.s32 @!p0 $0x1;
	_ =	shalt  }
.Lfunc_end2:
_tile_overlayer_lowered:
.L_overlay_start_2:
0xac: {  	(tag) =	ssettag $0x2  }
0xad: {  	s0 =	rddreg [dreg:$0x0];
	s2 =	stileid.u32  }
0xae: {  	s1 =	rddreg [dreg:$0x1];
	p0 =	sne.s32 s2, $0x0  }
0xaf: {  	s3 =	rddreg [dreg:$0x2];
	[bflag:$0x3] =	sbarrier.arrive $0xFFFF;
	s2 =	simm.s32 @!p0 $0x1C05  }
0xb0: {  	[timem:s3], [sflag:s2] =	dma.local @!p0 [hbm:s0], s1  }
0xb1: {  	s0 =	simm.s32 @!p0 $0x5  }
0xb2: {  	_ =	swait.ge @!p0 [sflag:s0], s1  }
0xb3: {  	s1 =	ssub.s32 @!p0 $0x0, s1;
	[sflag:s0] =	ssyncset.done @!p0 $0x0  }
0xb4: {  	[sflag:s0] =	ssyncadd.s32 @!p0 s1  }
0xb5: {  	[bflag:$0x3] =	sbarrier.arrive $0xFFFF  }
0xb6: {  	_ =	shalt  }

</sc_bundles>
